<compile_context>
chip_gen: v7x
topology: tpu7x:2x2x1
jax: 0.10.2.dev20260603
libtpu: 0.0.44.dev20260713+nightly
codegen_flags: <defaults>
</compile_context>

<pallas_src>
import functools

import jax
import jax.numpy as jnp
from jax import lax
from jax.experimental import pallas as pl
from jax.experimental.pallas import tpu as pltpu
from jax.experimental.pallas import tpu_sc as plsc

_D_MODEL = 2048
_D_SLICE = 32
_GRID = 16
_START = 96
_LANES = 128
_N_ROWS = 16384
_NW = 32
_ROWS_PER_W = _N_ROWS // _NW
_ROW_UNROLL = 8


def _minmax_kernel(x_ref, min_ref, max_ref, stripe_ref):
    i = pl.program_id(0)
    xb = x_ref[...]
    stripe_ref[...] = xb[:, _START:_START + _D_SLICE]
    lane = jax.lax.broadcasted_iota(jnp.int32, xb.shape, dimension=1)
    active = lane >= _START
    mn = jnp.min(jnp.where(active, xb, jnp.inf))
    mx = jnp.max(jnp.where(active, xb, -jnp.inf))

    @pl.when(i == 0)
    def _init():
        min_ref[...] = jnp.full((1, 16), mn, jnp.float32)
        max_ref[...] = jnp.full((1, 16), mx, jnp.float32)

    @pl.when(i != 0)
    def _acc():
        min_ref[...] = jnp.minimum(min_ref[...], mn)
        max_ref[...] = jnp.maximum(max_ref[...], mx)


def _sc_spline_body(stripe_hbm, tabs_hbm, out_hbm, chunk_v, tabs_v, sem1,
                    sem2):
    wid = lax.axis_index("c") * 16 + lax.axis_index("s")
    base = wid * _ROWS_PER_W
    c1 = pltpu.async_copy(stripe_hbm.at[pl.ds(base, _ROWS_PER_W)], chunk_v,
                          sem1)
    c2 = pltpu.async_copy(tabs_hbm, tabs_v, sem2)
    c1.wait()
    c2.wait()

    ntab = _D_SLICE * _GRID
    mn = tabs_v[pl.ds(2 * ntab, 16)]
    mx = tabs_v[pl.ds(2 * ntab + 16, 16)]
    inv16 = _GRID / (mx - mn + 1e-8)
    tmax = (1.0 - 1e-6) * _GRID
    lane_mul = lax.iota(jnp.int32, 16) * _GRID

    @plsc.parallel_loop(0, _ROWS_PER_W, step=1, unroll=_ROW_UNROLL)
    def _row_body(r):
        for j in (0, 16):
            xv = chunk_v[r, pl.ds(j, 16)]
            t = jnp.clip((xv - mn) * inv16, 0.0, tmax)
            bin_ = t.astype(jnp.int32)
            x_local = t - bin_.astype(jnp.float32)
            li = (lane_mul + (j * _GRID)) + bin_
            bv = plsc.load_gather(tabs_v, [li])
            sv = plsc.load_gather(tabs_v, [li + ntab])
            chunk_v[r, pl.ds(j, 16)] = xv + bv + sv * x_local

    pltpu.sync_copy(chunk_v, out_hbm.at[pl.ds(base, _ROWS_PER_W)])


def _copy_kernel(x_ref, out_ref):
    out_ref[...] = x_ref[...]


def _patch_kernel(o_ref, s_ref, out_ref):
    out_ref[...] = o_ref[...]
    out_ref[:, _START:_START + _D_SLICE] = s_ref[...]


@functools.partial(jax.jit, static_argnames=())
def kernel(x, spline_bases, spline_slopes, output_scale):
    n_rows = x.shape[0]
    br_mm = 8192
    br = 1024

    mn, mx, stripe = pl.pallas_call(
        _minmax_kernel,
        grid=(n_rows // br_mm,),
        in_specs=[pl.BlockSpec((br_mm, _LANES), lambda i: (i, 0))],
        out_specs=[
            pl.BlockSpec((1, 16), lambda i: (0, 0)),
            pl.BlockSpec((1, 16), lambda i: (0, 0)),
            pl.BlockSpec((br_mm, _D_SLICE), lambda i: (i, 0)),
        ],
        out_shape=[
            jax.ShapeDtypeStruct((1, 16), jnp.float32),
            jax.ShapeDtypeStruct((1, 16), jnp.float32),
            jax.ShapeDtypeStruct((n_rows, _D_SLICE), jnp.float32),
        ],
        compiler_params=pltpu.CompilerParams(
            dimension_semantics=("arbitrary",)),
    )(x)

    ntab = _D_SLICE * _GRID
    tabs = jnp.concatenate([
        (spline_bases * output_scale).reshape(ntab),
        (spline_slopes * output_scale).reshape(ntab),
        mn.reshape(16),
        mx.reshape(16),
    ])

    sc_spline = pl.kernel(
        _sc_spline_body,
        out_type=jax.ShapeDtypeStruct((n_rows, _D_SLICE), jnp.float32),
        mesh=plsc.VectorSubcoreMesh(core_axis_name="c", subcore_axis_name="s"),
        scratch_types=[
            pltpu.VMEM((_ROWS_PER_W, _D_SLICE), jnp.float32),
            pltpu.VMEM((2 * ntab + 32,), jnp.float32),
            pltpu.SemaphoreType.DMA,
            pltpu.SemaphoreType.DMA,
        ],
        compiler_params=pltpu.CompilerParams(needs_layout_passes=False),
    )
    new_stripe = sc_spline(stripe, tabs)

    out1 = pl.pallas_call(
        _copy_kernel,
        grid=(n_rows // br,),
        in_specs=[pl.BlockSpec((br, _D_MODEL), lambda i: (i, 0))],
        out_specs=pl.BlockSpec((br, _D_MODEL), lambda i: (i, 0)),
        out_shape=jax.ShapeDtypeStruct((n_rows, _D_MODEL), x.dtype),
        compiler_params=pltpu.CompilerParams(
            dimension_semantics=("parallel",)),
    )(x)

    br_p = 8192
    out = pl.pallas_call(
        _patch_kernel,
        grid=(n_rows // br_p,),
        in_specs=[
            pl.BlockSpec((br_p, _LANES), lambda i: (i, 0)),
            pl.BlockSpec((br_p, _D_SLICE), lambda i: (i, 0)),
        ],
        out_specs=pl.BlockSpec((br_p, _LANES), lambda i: (i, 0)),
        out_shape=jax.ShapeDtypeStruct((n_rows, _D_MODEL), x.dtype),
        input_output_aliases={0: 0},
        compiler_params=pltpu.CompilerParams(
            dimension_semantics=("parallel",)),
    )(out1, new_stripe)
    return out

# --- scband reference (transcript-rebuilt; emitter-appended) ---
"""Pipeline reference for scband-kantile-51934744543467 (READ-ONLY COPY).

The authoritative reference and input builder live on the scoring server;
editing this copy changes nothing except your own understanding.
"""

import jax, jax.numpy as jnp
import numpy as np

D_MODEL = 2048
D_SLICE = 32
GRID = 16
TILE_ID = 3
START = (TILE_ID * D_SLICE) % D_MODEL
DIM_IDX = np.arange(START, START + D_SLICE) % D_MODEL


def setup_inputs(seed: int = 0) -> dict:
    key = jax.random.key(seed)
    k1, k2, k3 = jax.random.split(key, 3)
    x = jax.random.normal(k1, (16384, D_MODEL), dtype=jnp.float32)
    spline_bases = jax.random.normal(k2, (D_SLICE, GRID), dtype=jnp.float32) * 0.1
    spline_slopes = jnp.ones((D_SLICE, GRID), dtype=jnp.float32) * 0.1 + jax.random.normal(k3, (D_SLICE, GRID), dtype=jnp.float32) * 0.01
    output_scale = jnp.ones((1,), dtype=jnp.float32)
    return {"x": x, "spline_bases": spline_bases, "spline_slopes": spline_slopes, "output_scale": output_scale}


def reference(x, spline_bases, spline_slopes, output_scale):
    dim_idx = jnp.asarray(DIM_IDX)
    x_slice = x[..., dim_idx]
    xmin = x_slice.min()
    xmax = x_slice.max()
    x_norm = (x_slice - xmin) / (xmax - xmin + 1e-08)
    x_norm = jnp.clip(x_norm, 0.0, 1.0 - 1e-06)
    idx = (x_norm * GRID).astype(jnp.int32)
    idx = jnp.clip(idx, 0, GRID - 1)
    rows = jnp.arange(D_SLICE)[None, :]
    b = spline_bases[rows, idx]
    s = spline_slopes[rows, idx]
    cell_size = 1.0 / GRID
    x_local = (x_norm - idx.astype(jnp.float32) * cell_size) / cell_size
    delta = (b + s * x_local) * output_scale
    out = x.at[..., dim_idx].add(delta)
    return out

if __name__ == "__main__":
    import jax
    _d = setup_inputs()
    print(jax.jit(kernel)(*tuple(_d.values())))

</pallas_src>

<mosaic_0001>
#map = affine_map<(d0, d1) -> (0, 0)>
#map1 = affine_map<(d0, d1) -> (0)>
module attributes {stable_mosaic.version = 14 : i64} {
  func.func @_sc_spline_body(%arg0: i32, %arg1: i32, %arg2: memref<16384x32xf32, #tpu.memory_space<hbm>>, %arg3: memref<1056xf32, #tpu.memory_space<hbm>>, %arg4: memref<16384x32xf32, #tpu.memory_space<hbm>>, %arg5: memref<512x32xf32, #tpu.memory_space<vmem>>, %arg6: memref<1056xf32, #tpu.memory_space<vmem>>, %arg7: memref<!tpu.dma_semaphore, #tpu.memory_space<semaphore_mem>>, %arg8: memref<!tpu.dma_semaphore, #tpu.memory_space<semaphore_mem>>) attributes {dimension_semantics = [#tpu.dimension_semantics<core_parallel>, #tpu.dimension_semantics<subcore_parallel>], iteration_bounds = array<i64: 2, 16>, scalar_prefetch = 0 : i64, scratch_operands = 4 : i64, tpu.core_type = #tpu.core_type<sc_vector_subcore>, window_params = [{transform_indices = #map}, {transform_indices = #map1}, {transform_indices = #map}]} {
    %mul3A = arith.constant 16 : i32
    %mul3A_0 = arith.muli %arg0, %mul3A : i32
    %add3A = arith.addi %mul3A_0, %arg1 : i32
    %mul3A_1 = arith.constant 512 : i32
    %mul3A_2 = arith.muli %add3A, %mul3A_1 : i32
    %dma_start3A = arith.constant 0 : i32
    %dma_start3A_3 = tpu.memref_slice %arg2[%mul3A_2, %dma_start3A] : memref<16384x32xf32, #tpu.memory_space<hbm>> -> memref<512x32xf32, #tpu.memory_space<hbm>>
    %dma_start3A_4 = arith.constant 0 : i32
    %dma_start3A_5 = tpu.memref_slice %arg2[%mul3A_2, %dma_start3A_4] : memref<16384x32xf32, #tpu.memory_space<hbm>> -> memref<512x32xf32, #tpu.memory_space<hbm>>
    tpu.enqueue_dma source(%dma_start3A_5 : memref<512x32xf32, #tpu.memory_space<hbm>>) target(%arg5 : memref<512x32xf32, #tpu.memory_space<vmem>>) target_semaphore(%arg7 : memref<!tpu.dma_semaphore, #tpu.memory_space<semaphore_mem>>)
    tpu.enqueue_dma source(%arg3 : memref<1056xf32, #tpu.memory_space<hbm>>) target(%arg6 : memref<1056xf32, #tpu.memory_space<vmem>>) target_semaphore(%arg8 : memref<!tpu.dma_semaphore, #tpu.memory_space<semaphore_mem>>)
    %dma_wait3A = arith.constant 0 : i32
    %dma_wait3A_6 = tpu.memref_slice %arg2[%mul3A_2, %dma_wait3A] : memref<16384x32xf32, #tpu.memory_space<hbm>> -> memref<512x32xf32, #tpu.memory_space<hbm>>
    %dma_wait3A_7 = arith.constant 0 : i32
    %dma_wait3A_8 = tpu.memref_slice %arg2[%mul3A_2, %dma_wait3A_7] : memref<16384x32xf32, #tpu.memory_space<hbm>> -> memref<512x32xf32, #tpu.memory_space<hbm>>
    tpu.wait_dma2 semaphore(%arg7 : memref<!tpu.dma_semaphore, #tpu.memory_space<semaphore_mem>>) src(%dma_wait3A_8 : memref<512x32xf32, #tpu.memory_space<hbm>>) dst(%arg5 : memref<512x32xf32, #tpu.memory_space<vmem>>)
    tpu.wait_dma2 semaphore(%arg8 : memref<!tpu.dma_semaphore, #tpu.memory_space<semaphore_mem>>) src(%arg3 : memref<1056xf32, #tpu.memory_space<hbm>>) dst(%arg6 : memref<1056xf32, #tpu.memory_space<vmem>>)
    %get3A = arith.constant 1024 : index
    %get3A_9 = tpu.vector_load %arg6[%get3A] {strides = array<i32>} : memref<1056xf32, #tpu.memory_space<vmem>>, vector<16xf32>,
    %get3A_10 = arith.constant 1040 : index
    %get3A_11 = tpu.vector_load %arg6[%get3A_10] {strides = array<i32>} : memref<1056xf32, #tpu.memory_space<vmem>>, vector<16xf32>,
    %sub3A = arith.subf %get3A_11, %get3A_9 : vector<16xf32>
    %add3A_12 = arith.constant 9.99999993E-9 : f32
    %add3A_13 = vector.broadcast %add3A_12 : f32 to vector<16xf32>
    %add3A_14 = arith.addf %sub3A, %add3A_13 : vector<16xf32>
    %div3A = arith.constant 1.600000e+01 : f32
    %div3A_15 = vector.broadcast %div3A : f32 to vector<16xf32>
    %div3A_16 = arith.divf %div3A_15, %add3A_14 : vector<16xf32>
    %iota3A = tpu.iota {dimensions = array<i32: 0>} : vector<16xi32>
    %mul3A_17 = arith.constant 16 : i32
    %mul3A_18 = vector.broadcast %mul3A_17 : i32 to vector<16xi32>
    %mul3A_19 = arith.muli %iota3A, %mul3A_18 : vector<16xi32>
    %parallel_loop3A = arith.constant 0 : i32
    %parallel_loop3A_20 = arith.constant 512 : i32
    %parallel_loop3A_21 = arith.constant 1 : i32
    scf.for %parallel_loop3A_22 = %parallel_loop3A to %parallel_loop3A_20 step %parallel_loop3A_21  : i32 {
      %parallel_loop3A_23 = arith.index_cast %parallel_loop3A_22 : i32 to index
      %parallel_loop3A_24 = arith.constant 0 : index
      %parallel_loop3A_25 = tpu.vector_load %arg5[%parallel_loop3A_23, %parallel_loop3A_24] {strides = array<i32>} : memref<512x32xf32, #tpu.memory_space<vmem>>, vector<16xf32>,
      %parallel_loop3A_26 = arith.subf %parallel_loop3A_25, %get3A_9 : vector<16xf32>
      %parallel_loop3A_27 = arith.mulf %parallel_loop3A_26, %div3A_16 : vector<16xf32>
      %parallel_loop3A_28 = arith.constant 0.000000e+00 : f32
      %parallel_loop3A_29 = arith.constant 15.9999838 : f32
      %parallel_loop3A_30 = vector.broadcast %parallel_loop3A_28 : f32 to vector<16xf32>
      %parallel_loop3A_31 = arith.maximumf %parallel_loop3A_30, %parallel_loop3A_27 : vector<16xf32>
      %parallel_loop3A_32 = vector.broadcast %parallel_loop3A_29 : f32 to vector<16xf32>
      %parallel_loop3A_33 = arith.minimumf %parallel_loop3A_32, %parallel_loop3A_31 : vector<16xf32>
      %parallel_loop3A_34 = arith.fptosi %parallel_loop3A_33 : vector<16xf32> to vector<16xi32>
      %parallel_loop3A_35 = arith.sitofp %parallel_loop3A_34 : vector<16xi32> to vector<16xf32>
      %parallel_loop3A_36 = arith.subf %parallel_loop3A_33, %parallel_loop3A_35 : vector<16xf32>
      %parallel_loop3A_37 = arith.constant 0 : i32
      %parallel_loop3A_38 = vector.broadcast %parallel_loop3A_37 : i32 to vector<16xi32>
      %parallel_loop3A_39 = arith.addi %mul3A_19, %parallel_loop3A_38 : vector<16xi32>
      %parallel_loop3A_40 = arith.addi %parallel_loop3A_39, %parallel_loop3A_34 : vector<16xi32>
      %parallel_loop3A_41 = tpu.vector_load_idx %arg6[%parallel_loop3A_40] : memref<1056xf32, #tpu.memory_space<vmem>>[vector<16xi32>], vector<16xf32>,
      %parallel_loop3A_42 = arith.constant 512 : i32
      %parallel_loop3A_43 = vector.broadcast %parallel_loop3A_42 : i32 to vector<16xi32>
      %parallel_loop3A_44 = arith.addi %parallel_loop3A_40, %parallel_loop3A_43 : vector<16xi32>
      %parallel_loop3A_45 = tpu.vector_load_idx %arg6[%parallel_loop3A_44] : memref<1056xf32, #tpu.memory_space<vmem>>[vector<16xi32>], vector<16xf32>,
      %parallel_loop3A_46 = arith.addf %parallel_loop3A_25, %parallel_loop3A_41 : vector<16xf32>
      %parallel_loop3A_47 = arith.mulf %parallel_loop3A_45, %parallel_loop3A_36 : vector<16xf32>
      %parallel_loop3A_48 = arith.addf %parallel_loop3A_46, %parallel_loop3A_47 : vector<16xf32>
      %parallel_loop3A_49 = arith.index_cast %parallel_loop3A_22 : i32 to index
      %parallel_loop3A_50 = arith.constant 0 : index
      %parallel_loop3A_51 = tpu.vector_load %arg5[%parallel_loop3A_49, %parallel_loop3A_50] {strides = array<i32>} : memref<512x32xf32, #tpu.memory_space<vmem>>, vector<16xf32>,
      tpu.vector_store %arg5[%parallel_loop3A_49, %parallel_loop3A_50], %parallel_loop3A_48 {strides = array<i32>} : memref<512x32xf32, #tpu.memory_space<vmem>>, vector<16xf32>,
      %parallel_loop3A_52 = arith.index_cast %parallel_loop3A_22 : i32 to index
      %parallel_loop3A_53 = arith.constant 16 : index
      %parallel_loop3A_54 = tpu.vector_load %arg5[%parallel_loop3A_52, %parallel_loop3A_53] {strides = array<i32>} : memref<512x32xf32, #tpu.memory_space<vmem>>, vector<16xf32>,
      %parallel_loop3A_55 = arith.subf %parallel_loop3A_54, %get3A_9 : vector<16xf32>
      %parallel_loop3A_56 = arith.mulf %parallel_loop3A_55, %div3A_16 : vector<16xf32>
      %parallel_loop3A_57 = arith.constant 0.000000e+00 : f32
      %parallel_loop3A_58 = arith.constant 15.9999838 : f32
      %parallel_loop3A_59 = vector.broadcast %parallel_loop3A_57 : f32 to vector<16xf32>
      %parallel_loop3A_60 = arith.maximumf %parallel_loop3A_59, %parallel_loop3A_56 : vector<16xf32>
      %parallel_loop3A_61 = vector.broadcast %parallel_loop3A_58 : f32 to vector<16xf32>
      %parallel_loop3A_62 = arith.minimumf %parallel_loop3A_61, %parallel_loop3A_60 : vector<16xf32>
      %parallel_loop3A_63 = arith.fptosi %parallel_loop3A_62 : vector<16xf32> to vector<16xi32>
      %parallel_loop3A_64 = arith.sitofp %parallel_loop3A_63 : vector<16xi32> to vector<16xf32>
      %parallel_loop3A_65 = arith.subf %parallel_loop3A_62, %parallel_loop3A_64 : vector<16xf32>
      %parallel_loop3A_66 = arith.constant 256 : i32
      %parallel_loop3A_67 = vector.broadcast %parallel_loop3A_66 : i32 to vector<16xi32>
      %parallel_loop3A_68 = arith.addi %mul3A_19, %parallel_loop3A_67 : vector<16xi32>
      %parallel_loop3A_69 = arith.addi %parallel_loop3A_68, %parallel_loop3A_63 : vector<16xi32>
      %parallel_loop3A_70 = tpu.vector_load_idx %arg6[%parallel_loop3A_69] : memref<1056xf32, #tpu.memory_space<vmem>>[vector<16xi32>], vector<16xf32>,
      %parallel_loop3A_71 = arith.constant 512 : i32
      %parallel_loop3A_72 = vector.broadcast %parallel_loop3A_71 : i32 to vector<16xi32>
      %parallel_loop3A_73 = arith.addi %parallel_loop3A_69, %parallel_loop3A_72 : vector<16xi32>
      %parallel_loop3A_74 = tpu.vector_load_idx %arg6[%parallel_loop3A_73] : memref<1056xf32, #tpu.memory_space<vmem>>[vector<16xi32>], vector<16xf32>,
      %parallel_loop3A_75 = arith.addf %parallel_loop3A_54, %parallel_loop3A_70 : vector<16xf32>
      %parallel_loop3A_76 = arith.mulf %parallel_loop3A_74, %parallel_loop3A_65 : vector<16xf32>
      %parallel_loop3A_77 = arith.addf %parallel_loop3A_75, %parallel_loop3A_76 : vector<16xf32>
      %parallel_loop3A_78 = arith.index_cast %parallel_loop3A_22 : i32 to index
      %parallel_loop3A_79 = arith.constant 16 : index
      %parallel_loop3A_80 = tpu.vector_load %arg5[%parallel_loop3A_78, %parallel_loop3A_79] {strides = array<i32>} : memref<512x32xf32, #tpu.memory_space<vmem>>, vector<16xf32>,
      tpu.vector_store %arg5[%parallel_loop3A_78, %parallel_loop3A_79], %parallel_loop3A_77 {strides = array<i32>} : memref<512x32xf32, #tpu.memory_space<vmem>>, vector<16xf32>,
    } {sc.loop_unroll_factor = 8 : i64, sc.parallel_access}
    "tpu.region"() ({
      %run_scoped3A = tpu.sem_alloc : memref<!tpu.dma_semaphore, #tpu.memory_space<semaphore_mem>>
      %dma_start3A_22 = arith.constant 0 : i32
      %dma_start3A_23 = tpu.memref_slice %arg4[%mul3A_2, %dma_start3A_22] : memref<16384x32xf32, #tpu.memory_space<hbm>> -> memref<512x32xf32, #tpu.memory_space<hbm>>
      %dma_start3A_24 = arith.constant 0 : i32
      %dma_start3A_25 = tpu.memref_slice %arg4[%mul3A_2, %dma_start3A_24] : memref<16384x32xf32, #tpu.memory_space<hbm>> -> memref<512x32xf32, #tpu.memory_space<hbm>>
      tpu.enqueue_dma source(%arg5 : memref<512x32xf32, #tpu.memory_space<vmem>>) target(%dma_start3A_25 : memref<512x32xf32, #tpu.memory_space<hbm>>) target_semaphore(%run_scoped3A : memref<!tpu.dma_semaphore, #tpu.memory_space<semaphore_mem>>)
      %dma_wait3A_26 = arith.constant 0 : i32
      %dma_wait3A_27 = tpu.memref_slice %arg4[%mul3A_2, %dma_wait3A_26] : memref<16384x32xf32, #tpu.memory_space<hbm>> -> memref<512x32xf32, #tpu.memory_space<hbm>>
      %dma_wait3A_28 = arith.constant 0 : i32
      %dma_wait3A_29 = tpu.memref_slice %arg4[%mul3A_2, %dma_wait3A_28] : memref<16384x32xf32, #tpu.memory_space<hbm>> -> memref<512x32xf32, #tpu.memory_space<hbm>>
      tpu.wait_dma2 semaphore(%run_scoped3A : memref<!tpu.dma_semaphore, #tpu.memory_space<semaphore_mem>>) src(%arg5 : memref<512x32xf32, #tpu.memory_space<vmem>>) dst(%dma_wait3A_29 : memref<512x32xf32, #tpu.memory_space<hbm>>)
      tpu.yield
    }) : () -> ()
    return
  }
}

module attributes {stable_mosaic.version = 14 : i64} {
  func.func @_minmax_kernel(%arg0: i32, %arg1: memref<8192x128xf32, #tpu.memory_space<vmem>>, %arg2: memref<1x16xf32, #tpu.memory_space<vmem>>, %arg3: memref<1x16xf32, #tpu.memory_space<vmem>>, %arg4: memref<8192x32xf32, #tpu.memory_space<vmem>>) attributes {dimension_semantics = [#tpu.dimension_semantics<arbitrary>], iteration_bounds = array<i64: 2>, scalar_prefetch = 0 : i64, scratch_operands = 0 : i64, tpu.core_type = #tpu.core_type<tc>, window_params = [{transform_indices = @transform_0, window_bounds = array<i64: 8192, 128>}, {pipeline_mode = #tpu.pipeline_mode<synchronous>, transform_indices = @transform_1, window_bounds = array<i64: 1, 16>}, {pipeline_mode = #tpu.pipeline_mode<synchronous>, transform_indices = @transform_2, window_bounds = array<i64: 1, 16>}, {transform_indices = @transform_3, window_bounds = array<i64: 8192, 32>}]} {
    %get3A = arith.constant 0 : index
    %get3A_0 = arith.constant 0 : index
    %get3A_1 = vector.load %arg1[%get3A, %get3A_0] : memref<8192x128xf32, #tpu.memory_space<vmem>>, vector<8192x128xf32>
    %slice3A = vector.extract_strided_slice %get3A_1 {offsets = [0, 96], sizes = [8192, 32], strides = [1, 1]} : vector<8192x128xf32> to vector<8192x32xf32>
    %swap3A = arith.constant 0 : index
    %swap3A_2 = arith.constant 0 : index
    %swap3A_3 = vector.load %arg4[%swap3A, %swap3A_2] : memref<8192x32xf32, #tpu.memory_space<vmem>>, vector<8192x32xf32>
    tpu.vector_store %arg4[%swap3A, %swap3A_2], %slice3A {strides = array<i32>} : memref<8192x32xf32, #tpu.memory_space<vmem>>, vector<8192x32xf32>,
    %iota3A = tpu.iota {dimensions = array<i32: 1>} : vector<8192x128xi32>
    %ge3A = arith.constant 96 : i32
    %ge3A_4 = vector.broadcast %ge3A : i32 to vector<8192x128xi32>
    %ge3A_5 = arith.cmpi sge, %iota3A, %ge3A_4 : vector<8192x128xi32>
    %jit3A = arith.constant 0x7F800000 : f32
    %broadcast_in_dim3A = vector.broadcast %jit3A : f32 to vector<8192x128xf32>
    %select_n3A = arith.select %ge3A_5, %get3A_1, %broadcast_in_dim3A : vector<8192x128xi1>, vector<8192x128xf32>
    %reduce_min3A = vector.shape_cast %select_n3A : vector<8192x128xf32> to vector<1x8192x128xf32>
    %reduce_min3A_6 = arith.constant dense<0x7F800000> : vector<1xf32>
    %reduce_min3A_7 = vector.multi_reduction <minimumf>, %reduce_min3A, %reduce_min3A_6 [1, 2] : vector<1x8192x128xf32> to vector<1xf32>
    %reduce_min3A_8 = vector.shape_cast %reduce_min3A_7 : vector<1xf32> to vector<1x1x1xf32>
    %reduce_min3A_9 = vector.extract %reduce_min3A_8[0, 0, 0] : f32 from vector<1x1x1xf32>
    %jit3A_10 = arith.constant 0xFF800000 : f32
    %broadcast_in_dim3A_11 = vector.broadcast %jit3A_10 : f32 to vector<8192x128xf32>
    %select_n3A_12 = arith.select %ge3A_5, %get3A_1, %broadcast_in_dim3A_11 : vector<8192x128xi1>, vector<8192x128xf32>
    %reduce_max3A = vector.shape_cast %select_n3A_12 : vector<8192x128xf32> to vector<1x8192x128xf32>
    %reduce_max3A_13 = arith.constant dense<0xFF800000> : vector<1xf32>
    %reduce_max3A_14 = vector.multi_reduction <maximumf>, %reduce_max3A, %reduce_max3A_13 [1, 2] : vector<1x8192x128xf32> to vector<1xf32>
    %reduce_max3A_15 = vector.shape_cast %reduce_max3A_14 : vector<1xf32> to vector<1x1x1xf32>
    %reduce_max3A_16 = vector.extract %reduce_max3A_15[0, 0, 0] : f32 from vector<1x1x1xf32>
    %eq3A = arith.constant 0 : i32
    %eq3A_17 = arith.cmpi eq, %arg0, %eq3A : i32
    %convert_element_type3A = arith.extui %eq3A_17 : i1 to i32
    %cond3A = arith.constant 0 : i32
    %cond3A_18 = arith.cmpi ne, %convert_element_type3A, %cond3A : i32
    scf.if %cond3A_18 {
      %broadcast_in_dim3A_23 = vector.broadcast %reduce_min3A_9 : f32 to vector<1x16xf32>
      %swap3A_24 = arith.constant 0 : index
      %swap3A_25 = arith.constant 0 : index
      %swap3A_26 = vector.load %arg2[%swap3A_24, %swap3A_25] : memref<1x16xf32, #tpu.memory_space<vmem>>, vector<1x16xf32>
      tpu.vector_store %arg2[%swap3A_24, %swap3A_25], %broadcast_in_dim3A_23 {strides = array<i32>} : memref<1x16xf32, #tpu.memory_space<vmem>>, vector<1x16xf32>,
      %broadcast_in_dim3A_27 = vector.broadcast %reduce_max3A_16 : f32 to vector<1x16xf32>
      %swap3A_28 = arith.constant 0 : index
      %swap3A_29 = arith.constant 0 : index
      %swap3A_30 = vector.load %arg3[%swap3A_28, %swap3A_29] : memref<1x16xf32, #tpu.memory_space<vmem>>, vector<1x16xf32>
      tpu.vector_store %arg3[%swap3A_28, %swap3A_29], %broadcast_in_dim3A_27 {strides = array<i32>} : memref<1x16xf32, #tpu.memory_space<vmem>>, vector<1x16xf32>,
    } else {
    }
    %ne3A = arith.constant 0 : i32
    %ne3A_19 = arith.cmpi ne, %arg0, %ne3A : i32
    %convert_element_type3A_20 = arith.extui %ne3A_19 : i1 to i32
    %cond3A_21 = arith.constant 0 : i32
    %cond3A_22 = arith.cmpi ne, %convert_element_type3A_20, %cond3A_21 : i32
    scf.if %cond3A_22 {
      %get3A_23 = arith.constant 0 : index
      %get3A_24 = arith.constant 0 : index
      %get3A_25 = vector.load %arg2[%get3A_23, %get3A_24] : memref<1x16xf32, #tpu.memory_space<vmem>>, vector<1x16xf32>
      %min3A = vector.broadcast %reduce_min3A_9 : f32 to vector<1x16xf32>
      %min3A_26 = arith.minimumf %get3A_25, %min3A : vector<1x16xf32>
      %swap3A_27 = arith.constant 0 : index
      %swap3A_28 = arith.constant 0 : index
      %swap3A_29 = vector.load %arg2[%swap3A_27, %swap3A_28] : memref<1x16xf32, #tpu.memory_space<vmem>>, vector<1x16xf32>
      tpu.vector_store %arg2[%swap3A_27, %swap3A_28], %min3A_26 {strides = array<i32>} : memref<1x16xf32, #tpu.memory_space<vmem>>, vector<1x16xf32>,
      %get3A_30 = arith.constant 0 : index
      %get3A_31 = arith.constant 0 : index
      %get3A_32 = vector.load %arg3[%get3A_30, %get3A_31] : memref<1x16xf32, #tpu.memory_space<vmem>>, vector<1x16xf32>
      %max3A = vector.broadcast %reduce_max3A_16 : f32 to vector<1x16xf32>
      %max3A_33 = arith.maximumf %get3A_32, %max3A : vector<1x16xf32>
      %swap3A_34 = arith.constant 0 : index
      %swap3A_35 = arith.constant 0 : index
      %swap3A_36 = vector.load %arg3[%swap3A_34, %swap3A_35] : memref<1x16xf32, #tpu.memory_space<vmem>>, vector<1x16xf32>
      tpu.vector_store %arg3[%swap3A_34, %swap3A_35], %max3A_33 {strides = array<i32>} : memref<1x16xf32, #tpu.memory_space<vmem>>, vector<1x16xf32>,
    } else {
    }
    return
  }
  func.func @transform_0(%arg0: i32) -> (i32, i32) {
    %c0_i32 = arith.constant 0 : i32
    %c0_i32_0 = arith.constant 0 : i32
    return %arg0, %c0_i32 : i32, i32
  }
  func.func @transform_1(%arg0: i32) -> (i32, i32) {
    %c0_i32 = arith.constant 0 : i32
    %c0_i32_0 = arith.constant 0 : i32
    %c0_i32_1 = arith.constant 0 : i32
    return %c0_i32, %c0_i32_0 : i32, i32
  }
  func.func @transform_2(%arg0: i32) -> (i32, i32) {
    %c0_i32 = arith.constant 0 : i32
    %c0_i32_0 = arith.constant 0 : i32
    %c0_i32_1 = arith.constant 0 : i32
    return %c0_i32, %c0_i32_0 : i32, i32
  }
  func.func @transform_3(%arg0: i32) -> (i32, i32) {
    %c0_i32 = arith.constant 0 : i32
    %c0_i32_0 = arith.constant 0 : i32
    return %arg0, %c0_i32 : i32, i32
  }
}

module attributes {stable_mosaic.version = 14 : i64} {
  func.func @_patch_kernel(%arg0: i32, %arg1: memref<8192x128xf32, #tpu.memory_space<vmem>>, %arg2: memref<8192x32xf32, #tpu.memory_space<vmem>>, %arg3: memref<8192x128xf32, #tpu.memory_space<vmem>>) attributes {dimension_semantics = [#tpu.dimension_semantics<parallel>], iteration_bounds = array<i64: 2>, scalar_prefetch = 0 : i64, scratch_operands = 0 : i64, tpu.core_type = #tpu.core_type<tc>, window_params = [{transform_indices = @transform_0, window_bounds = array<i64: 8192, 128>}, {transform_indices = @transform_1, window_bounds = array<i64: 8192, 32>}, {transform_indices = @transform_2, window_bounds = array<i64: 8192, 128>}]} {
    %get3A = arith.constant 0 : index
    %get3A_0 = arith.constant 0 : index
    %get3A_1 = vector.load %arg1[%get3A, %get3A_0] : memref<8192x128xf32, #tpu.memory_space<vmem>>, vector<8192x128xf32>
    %swap3A = arith.constant 0 : index
    %swap3A_2 = arith.constant 0 : index
    %swap3A_3 = vector.load %arg3[%swap3A, %swap3A_2] : memref<8192x128xf32, #tpu.memory_space<vmem>>, vector<8192x128xf32>
    tpu.vector_store %arg3[%swap3A, %swap3A_2], %get3A_1 {strides = array<i32>} : memref<8192x128xf32, #tpu.memory_space<vmem>>, vector<8192x128xf32>,
    %get3A_4 = arith.constant 0 : index
    %get3A_5 = arith.constant 0 : index
    %get3A_6 = vector.load %arg2[%get3A_4, %get3A_5] : memref<8192x32xf32, #tpu.memory_space<vmem>>, vector<8192x32xf32>
    %swap3A_7 = arith.constant 0 : index
    %swap3A_8 = arith.constant 96 : index
    %swap3A_9 = vector.load %arg3[%swap3A_7, %swap3A_8] : memref<8192x128xf32, #tpu.memory_space<vmem>>, vector<8192x32xf32>
    tpu.vector_store %arg3[%swap3A_7, %swap3A_8], %get3A_6 {strides = array<i32>} : memref<8192x128xf32, #tpu.memory_space<vmem>>, vector<8192x32xf32>,
    return
  }
  func.func @transform_0(%arg0: i32) -> (i32, i32) {
    %c0_i32 = arith.constant 0 : i32
    %c0_i32_0 = arith.constant 0 : i32
    return %arg0, %c0_i32 : i32, i32
  }
  func.func @transform_1(%arg0: i32) -> (i32, i32) {
    %c0_i32 = arith.constant 0 : i32
    %c0_i32_0 = arith.constant 0 : i32
    return %arg0, %c0_i32 : i32, i32
  }
  func.func @transform_2(%arg0: i32) -> (i32, i32) {
    %c0_i32 = arith.constant 0 : i32
    %c0_i32_0 = arith.constant 0 : i32
    return %arg0, %c0_i32 : i32, i32
  }
}

module attributes {stable_mosaic.version = 14 : i64} {
  func.func @_copy_kernel(%arg0: i32, %arg1: memref<1024x2048xf32, #tpu.memory_space<vmem>>, %arg2: memref<1024x2048xf32, #tpu.memory_space<vmem>>) attributes {dimension_semantics = [#tpu.dimension_semantics<parallel>], iteration_bounds = array<i64: 16>, scalar_prefetch = 0 : i64, scratch_operands = 0 : i64, tpu.core_type = #tpu.core_type<tc>, window_params = [{transform_indices = @transform_0, window_bounds = array<i64: 1024, 2048>}, {transform_indices = @transform_1, window_bounds = array<i64: 1024, 2048>}]} {
    %get3A = arith.constant 0 : index
    %get3A_0 = arith.constant 0 : index
    %get3A_1 = vector.load %arg1[%get3A, %get3A_0] : memref<1024x2048xf32, #tpu.memory_space<vmem>>, vector<1024x2048xf32>
    %swap3A = arith.constant 0 : index
    %swap3A_2 = arith.constant 0 : index
    %swap3A_3 = vector.load %arg2[%swap3A, %swap3A_2] : memref<1024x2048xf32, #tpu.memory_space<vmem>>, vector<1024x2048xf32>
    tpu.vector_store %arg2[%swap3A, %swap3A_2], %get3A_1 {strides = array<i32>} : memref<1024x2048xf32, #tpu.memory_space<vmem>>, vector<1024x2048xf32>,
    return
  }
  func.func @transform_0(%arg0: i32) -> (i32, i32) {
    %c0_i32 = arith.constant 0 : i32
    %c0_i32_0 = arith.constant 0 : i32
    return %arg0, %c0_i32 : i32, i32
  }
  func.func @transform_1(%arg0: i32) -> (i32, i32) {
    %c0_i32 = arith.constant 0 : i32
    %c0_i32_0 = arith.constant 0 : i32
    return %arg0, %c0_i32 : i32, i32
  }
}

</mosaic_0001>

<sc_bundles>
// kernel: kernel.6.cloned.1.call-start
scs
__scs_entry_jumppad:
0x0: {  	(pc) =	sbr.rel $0x88, $3  }
0x1: {  	(tag) =	ssettag $0x0;
	lr =	simm.s32 $0x1  }
0x2: {  	[smem:$0x3F9D] =	sst lr;
	_ =	strace $0xD0000000  }
0x3: {  	_ = 	snop  }
0x4: {  	_ = 	snop  }
0x5: {  	_ = 	snop  }
0x6: {  	_ = 	snop  }
0x7: {  	_ = 	snop  }
__scs_overlays_trampoline_lowered:
0x8: {  	[smem:$0x3FAC] =	sst s0  }
0x9: {  	[smem:$0x3FAD] =	sst s1  }
0xa: {  	[smem:$0x3FAE] =	sst s2  }
0xb: {  	[smem:$0x3FAF] =	sst s3  }
0xc: {  	[smem:$0x3FB0] =	sst s4  }
0xd: {  	[smem:$0x3FB1] =	sst s5  }
0xe: {  	[smem:$0x3FB2] =	sst s6  }
0xf: {  	[smem:$0x3FB3] =	sst s7  }
0x10: {  	[smem:$0x3FB4] =	sst s8  }
0x11: {  	[smem:$0x3FB5] =	sst s9;
	s0 =	simm.s32 @!p0 $0x0  }
0x12: {  	s1 =	sld [smem:$0x3F9B];
	s0 =	simm.s32 @p0 $0x1  }
0x13: {  	[smem:$0x3FB6] =	sst s0;
	s0 =	simm.s32 @!p1 $0x0  }
0x14: {  	s2 =	sld [smem:$0x3F9A];
	s0 =	simm.s32 @p1 $0x1  }
0x15: {  	[smem:$0x3FB7] =	sst s0;
	s0 =	simm.s32 @!p2 $0x0  }
0x16: {  	s3 =	sld [smem:$0x3FDB];
	s0 =	simm.s32 @p2 $0x1  }
0x17: {  	s4 =	simm.s32 $0x1BF5;
	[smem:$0x3FB9] =	sst s0  }
0x18: {  	s0 =	sld [smem:$0x3F9C];
	_ =	swait.ge [sflag:s4], $0x0  }
0x19: {  	s7 =	sld [smem:$0x3F9D]  }
0x1a: {  	s8 =	sadd.s32 $0xFFFFE003, lr  }
0x1b: {  	s9 =	sadd.s32 $0xFFFFFEF7, lr;
	s5 =	simm.s32 $0xFFFFFFFF;
	p2 =	slt.u32 s8, $0xFFFFF086  }
0x1c: {  	p1 =	slt.u32 s9, $0xF7A;
	s5 =	simm.s32 @!p2 $0x0  }
0x1d: {  	s5 =	simm.s32 @p1 $0x1;
	p0 =	seq.s32 s7, s2  }
0x1e: {  	s7 =	smul.u32 @!p0 $0xF7A, s2;
	p2 =	seq.s32 @!p0 s5, $0x0  }
0x1f: {  	s9 =	smul.u32 $0xF7A, s1;
	s8 =	simm.s32 @!p0 $0x1BF5;
	p2 =	por !p2, p0  }
0x20: {  	[sflag:s8] =	ssyncset.s32 @!p0 $0xFFFFF086;
	s6 =	sadd.s32 @!p0 s3, s7;
	s7 =	simm.s32 @!p0 $0x108  }
0x21: {  	s3 =	sadd.s32 s3, s9;
	s6 =	sadd.s32 @!p0 $0x88, s6;
	s7 =	simm.s32 @p2 $0x1082  }
0x22: {  	[simem:s7], [sflag:s8] =	dma.local @!p0 [hbm:s6], $0xF7A  }
0x23: {  	s9 =	sor.u32 $0xD0000000, s2;
	s6 =	simm.s32 $0x108;
	_ =	swait.ge @!p0 [sflag:s8], $0x0  }
0x24: {  	s3 =	sadd.s32 $0x88, s3;
	s6 =	simm.s32 @!p1 $0x1082;
	[sflag:s4] =	ssyncset.s32 $0xFFFFF086  }
0x25: {  	[simem:s6], [sflag:s4] =	dma.local [hbm:s3], $0xF7A  }
0x26: {  	[smem:$0x3F9D] =	sst s1;
	(tag) =	ssettag s2;
	_ =	strace s9  }
0x27: {  	s1 =	sld [smem:$0x3FAD]  }
0x28: {  	s2 =	sld [smem:$0x3FAE]  }
0x29: {  	s4 =	sld [smem:$0x3FB0]  }
0x2a: {  	p0 =	seq.s32 s5, $0x0;
	s5 =	sld [smem:$0x3FB1]  }
0x2b: {  	s6 =	sld [smem:$0x3FB2]  }
0x2c: {  	s7 =	sld [smem:$0x3FB3]  }
0x2d: {  	s3 =	simm.s32 $0x108;
	s8 =	sld [smem:$0x3FB4]  }
0x2e: {  	s3 =	simm.s32 @!p0 $0x1082;
	s9 =	sld [smem:$0x3FB5]  }
0x2f: {  	lr =	sadd.s32 s0, s3;
	s0 =	sld [smem:$0x3FAC]  }
0x30: {  	s3 =	sld [smem:$0x3FAF]  }
0x31: {  	[smem:$0x3FB8] =	sst s10  }
0x32: {  	s10 =	sld [smem:$0x3FB6];
	_ =	sdelay $0x3  }
0x33: {  	p0 =	seq.s32 s10, $0x1;
	s10 =	sld [smem:$0x3FB8];
	_ =	sdelay $0x3  }
0x34: {  	[smem:$0x3FB8] =	sst s10  }
0x35: {  	s10 =	sld [smem:$0x3FB7];
	_ =	sdelay $0x3  }
0x36: {  	p1 =	seq.s32 s10, $0x1;
	s10 =	sld [smem:$0x3FB8];
	_ =	sdelay $0x3  }
0x37: {  	[smem:$0x3FB8] =	sst s10  }
0x38: {  	s10 =	sld [smem:$0x3FB9]  }
0x39: {  	_ = 	snop;
	(pc) =	sbr.ind lr, $3  }
0x3a: {  	_ = 	snop  }
0x3b: {  	_ = 	snop  }
0x3c: {  	p2 =	seq.s32 s10, $0x1;
	s10 =	sld [smem:$0x3FB8]  }
0x3d: {  	_ =	shalt  }
0x3e: {  	_ =	shalt  }
0x3f: {  	_ =	shalt  }
0x40: {  	_ =	shalt  }
0x41: {  	_ =	shalt  }
0x42: {  	_ =	shalt  }
0x43: {  	_ =	shalt  }
0x44: {  	_ =	shalt  }
0x45: {  	_ =	shalt  }
0x46: {  	_ =	shalt  }
0x47: {  	_ =	shalt  }
0x48: {  	_ =	shalt  }
0x49: {  	_ =	shalt  }
0x4a: {  	_ =	shalt  }
0x4b: {  	_ =	shalt  }
0x4c: {  	_ =	shalt  }
0x4d: {  	_ =	shalt  }
0x4e: {  	_ =	shalt  }
0x4f: {  	_ =	shalt  }
0x50: {  	_ =	shalt  }
0x51: {  	_ =	shalt  }
0x52: {  	_ =	shalt  }
0x53: {  	_ =	shalt  }
0x54: {  	_ =	shalt  }
0x55: {  	_ =	shalt  }
0x56: {  	_ =	shalt  }
0x57: {  	_ =	shalt  }
0x58: {  	_ =	shalt  }
0x59: {  	_ =	shalt  }
0x5a: {  	_ =	shalt  }
0x5b: {  	_ =	shalt  }
0x5c: {  	_ =	shalt  }
0x5d: {  	_ =	shalt  }
0x5e: {  	_ =	shalt  }
0x5f: {  	_ =	shalt  }
0x60: {  	_ =	shalt  }
0x61: {  	_ =	shalt  }
0x62: {  	_ =	shalt  }
0x63: {  	_ =	shalt  }
0x64: {  	_ =	shalt  }
0x65: {  	_ =	shalt  }
0x66: {  	_ =	shalt  }
0x67: {  	_ =	shalt  }
0x68: {  	_ =	shalt  }
0x69: {  	_ =	shalt  }
0x6a: {  	_ =	shalt  }
0x6b: {  	_ =	shalt  }
0x6c: {  	_ =	shalt  }
0x6d: {  	_ =	shalt  }
0x6e: {  	_ =	shalt  }
0x6f: {  	_ =	shalt  }
0x70: {  	_ =	shalt  }
0x71: {  	_ =	shalt  }
0x72: {  	_ =	shalt  }
0x73: {  	_ =	shalt  }
0x74: {  	_ =	shalt  }
0x75: {  	_ =	shalt  }
0x76: {  	_ =	shalt  }
0x77: {  	_ =	shalt  }
0x78: {  	_ =	shalt  }
0x79: {  	_ =	shalt  }
0x7a: {  	_ =	shalt  }
0x7b: {  	_ =	shalt  }
0x7c: {  	_ =	shalt  }
0x7d: {  	_ =	shalt  }
0x7e: {  	_ =	shalt  }
0x7f: {  	_ =	shalt  }
0x80: {  	_ =	shalt  }
0x81: {  	_ =	shalt  }
0x82: {  	_ =	shalt  }
0x83: {  	_ =	shalt  }
0x84: {  	_ =	shalt  }
0x85: {  	_ =	shalt  }
0x86: {  	_ =	shalt  }
0x87: {  	_ =	shalt  }
.Lfunc_end0:
.L_simem_size_0:
called_computation_lowered:
.L_overlay_start_0:
0x88: {  	s2 =	sld [smem:$0x3FD9]  }
0x89: {  	s3 =	sld [smem:$0x3FFE];
	_ =	sdelay $0x1  }
0x8a: {  	s1 =	srdreg.scid  }
0x8b: {  	s0 =	sand.u32 $0x1, s1  }
0x8c: {  	s16 =	sshll.u32 s0, $0xA;
	s2 =	sadd.s32 s3, s2  }
0x8d: {  	s2 =	sadd.s32 s2, s16  }
0x8e: {  	[smem:$0x3FC4] =	sst s2  }
0x8f: {  	_ = 	snop  }
0x90: {  	(tm) =	ssettm $0x1  }
0x91: {  	s17 =	sld [smem:$0x3FFB];
	_ =	sdelay $0x3  }
0x92: {  	_ =	strace s17  }
0x93: {  	s2 =	sld [smem:$0x3FFC];
	_ =	sdelay $0x3  }
0x94: {  	_ =	strace s2  }
0x95: {  	s2 =	sld [smem:$0x3FFD];
	_ =	sdelay $0x3  }
0x96: {  	_ =	strace s2  }
0x97: {  	_ =	strace $0x8FFFFFFF  }
0x98: {  	s18 =	sld [smem:$0x3FDB];
	_ =	sdelay $0x1  }
0x99: {  	s19 =	simm.s32 $_scs_section_size  }
0x9a: {  	s4 =	simm.s32 $_size__tile_overlayer_lowered;
	s5 =	simm.s32 $_tile_overlayer_lowered  }
0x9b: {  	s22 =	simm.s32 $0x1BFF;
	s21 =	sshll.u32 s5, $0x1;
	s2 =	sadd.s32 s19, s18  }
0x9c: {  	s6 =	simm.s32 $0x0;
	s20 =	sshll.u32 s4, $0x1;
	s4 =	sadd.s32 s21, s2  }
0x9d: {  	[timem:s6], [sflag:s22] =	dma.local [hbm:s4], s20  }
0x9e: {  	_ =	swait.ge [sflag:s22], s20  }
0x9f: {  	s3 =	ssub.s32 $0x0, s20;
	[sflag:s22] =	ssyncset.done $0x0  }
0xa0: {  	[sflag:s22] =	ssyncadd.s32 s3;
	_ =	sdelay $0x1  }
0xa1: {  	s23 =	simm.s32 $0x1B8B  }
0xa2: {  	_ =	swait.ge [sflag:s23], $0x1  }
0xa3: {  	[sflag:s23] =	ssyncset.done $0x0  }
0xa4: {  	s25 =	simm.s32 $0x1B8E;
	s24 =	sld [smem:$0x3FFE];
	[sflag:s23] =	ssyncadd.s32 $0xFFFFFFFF  }
0xa5: {  	s26 =	simm.s32 $execute0_lowered;
	[smem:$0x3FD2] =	sst s25  }
0xa6: {  	s4 =	sshll.u32 s26, $0x1;
	_ =	strace $0x80000046;
	[dreg:$0x1] =	wrdreg $0xFFFFFFFF  }
0xa7: {  	s28 =	simm.s32 $_size_execute0_lowered;
	s2 =	sadd.s32 s2, s4;
	[dreg:$0x0] =	wrdreg $0x0  }
0xa8: {  	s4 =	sshll.u32 s28, $0x1;
	[dreg:$0x2] =	wrdreg s2  }
0xa9: {  	[dreg:$0x3] =	wrdreg s4  }
0xaa: {  	[dreg:$0x4] =	wrdreg $0xC0  }
0xab: {  	_ =	task [dreg:s6], $0x5FFFF  }
0xac: {  	[dreg:$0x1] =	wrdreg $0xFFFFFFFF  }
0xad: {  	[dreg:$0x0] =	wrdreg $0x60  }
0xae: {  	[dreg:$0x2] =	wrdreg s24  }
0xaf: {  	[dreg:$0x3] =	wrdreg $0x9  }
0xb0: {  	_ =	task.clear_ibuf [dreg:s6], $0x4FFFF;
	_ =	strace $0x90000046  }
0xb1: {  	s29 =	simm.s32 $0x9;
	_ =	strace $0x80000048  }
0xb2: {  	_ =	swait.ge [sflag:s29], $0x1  }
0xb3: {  	[sflag:s29] =	ssyncadd.s32 $0xFFFFFFFF  }
0xb4: {  	_ =	strace $0x90000048  }
0xb5: {  	_ =	sfence  }
0xb6: {  	s30 =	sld [smem:$0x0];
	_ =	sdelay $0x2  }
0xb7: {  	s31 =	sshll.u32 s1, $0xD;
	s1 =	sshrl.u32 s1, $0x2  }
0xb8: {  	s3 =	sand.u32 $0x4000, s31;
	s1 =	sadd.s32 s1, s30  }
0xb9: {  	s0 =	sor.u32 s3, s0;
	s1 =	sshll.u32 s1, $0x11  }
0xba: {  	s0 =	sor.u32 s1, s0  }
0xbb: {  	s0 =	sadd.s32 $0x8F2B, s0  }
0xbc: {  	[sflag:s0] =	ssyncadd.remote.s32 $0x1  }
0xbd: {  	_ =	sfence.sel $0xFFFF  }
0xbe: {  	[dreg:$0x0] =	wrdreg $0xFFFFFFFF;
	(pc) =	sbr.abs _section_cstart, $3  }
0xbf: {  	[dreg:$0x1] =	wrdreg $0xFFFFFFFF  }
0xc0: {  	_ =	task.clear_ibuf [dreg:s6], $0x2FFFF;
	_ =	strace $0x9FFFFFFF  }
0xc1: {  	(tm) =	ssettm $0x7FFFFFFF  }
tec
execute0_lowered:
.L_overlay_start_1:
0x0: {  	(tag) =	ssettag $0x1  }
0x1: {  	s4 =	rddreg [dreg:$0x0]  }
0x2: {  	s0 =	rddreg [dreg:$0x1];
	s3 =	srdreg.scid  }
0x3: {  	s2 =	simm.s32 $0x0;
	s1 =	stileid.u32;
	s7 =	simm.s32 $0x10000  }
0x4: {  	v0 =	vlaneseq.u32;
	s8 =	simm.s32 $0x1;
	s9 =	simm.s32 $0x2;
	s10 =	simm.s32 $0x3  }
0x5: {  	s11 =	simm.s32 $0x0;
	s3 =	sand.u32 $0x1, s3;
	[smem:$0x7FF] =	sst s2;
	v0 =	vmul.u32 $0x10, v0  }
0x6: {  	s6 =	sshll.u32 s1, $0xD;
	s5 =	sshll.u32 s3, $0x11;
	s30 =	ssub.s32 $0x2, s3  }
0x7: {  	_ =	strace $0x80000047;
	s5 =	sor.u32 s6, s5;
	s31 =	sshrl.u32 s30, $0x1;
	v61 =	vor.u32 $0x100, v0  }
0x8: {  	s3 =	sadd.s32 $0x40C00, s4;
	v62 =	vor.u32 $0x300, v0;
	s5 =	sadd.s32 s5, s4;
	s6 =	ssub.s32 s30, s31;
	[tilespmem:$0x1FFE0] =	vst v61  }
0x9: {  	v1 =	vor.u32 $0x200, v0;
	[tilespmem:$0x1FFF0] =	vst v62;
	s4 =	sadd.s32 $0xC00, s5;
	s5 =	sadd.s32 $0x40E00, s5;
	s6 =	smax.u32 s6, $0x1  }
.LBB2_1:
0xa: {  	[tilespmem:s2], [sflag:$0x1] =	stream.linear.gather [hbm4b:s4+s2], $0x10000, $0x38;
	[tilespmem:$0x10480] =	vst v63  }
0xb: {  	_ = 	snop  }
0xc: {  	[tilespmem:s7], [sflag:$0x2] =	stream.linear.gather [hbm4b:s3+s2], $0x480, $0x38;
	[tilespmem:$0x10480] =	vst v63  }
0xd: {  	_ =	swait.ge [sflag:s8], $0x10000  }
0xe: {  	[sflag:s8] =	ssyncset.done $0x0  }
0xf: {  	[sflag:s8] =	ssyncadd.s32 $0xFFFF0000  }
0x10: {  	_ =	swait.ge [sflag:s9], $0x480  }
0x11: {  	[sflag:s9] =	ssyncset.done $0x0  }
0x12: {  	[sflag:s9] =	ssyncadd.s32 $0xFFFFFB80  }
0x13: {  	v4 =	vld [tilespmem:$0x10400]  }
0x14: {  	v5 =	vld [tilespmem:$0x10410];
	_ =	sdelay $0x4  }
0x15: {  	v5 =	vsub.f32 v5, v4;
	_ =	sdelay $0x1  }
0x16: {  	v5 =	vadd.f32 $9.999999930e-09, v5;
	_ =	sdelay $0x1  }
0x17: {  	s12 =	simm.s32 $0x200;
	(erf) = vrcp.f32 v5  }
0x18: {  	v6 =	vld [tilespmem:s12+$0x180]  }
0x19: {  	v15 =	vld [tilespmem:s12+$0xFFFFFE80]  }
0x1a: {  	v14 =	vld [tilespmem:s12+$0xFFFFFF00]  }
0x1b: {  	v13 =	vld [tilespmem:s12+$0xFFFFFF80]  }
0x1c: {  	v12 =	vld [tilespmem:s12+$0x0]  }
0x1d: {  	v9 =	vld [tilespmem:s12+$0x80]  }
0x1e: {  	v16 =	vld [tilespmem:s12+$0xFFFFFE00]  }
0x1f: {  	v23 =	vld [tilespmem:s12+$0x190]  }
0x20: {  	v2 =	vld [tilespmem:s12+$0x110];
	v8 =	vsub.f32 v6, v4;
	v5 =	vpop (erf)  }
0x21: {  	v10 =	vsub.f32 v15, v4;
	v11 =	vsub.f32 v14, v4;
	v5 =	vmul.f32 $1.600000000e+01, v5  }
0x22: {  	v17 =	vsub.f32 v13, v4;
	v18 =	vsub.f32 v12, v4  }
0x23: {  	v19 =	vsub.f32 v9, v4;
	v22 =	vsub.f32 v16, v4;
	v8 =	vmul.f32 v8, v5  }
0x24: {  	v7 =	vld [tilespmem:s12+$0x100];
	v29 =	vsub.f32 v23, v4;
	v10 =	vmul.f32 v10, v5;
	v11 =	vmul.f32 v11, v5  }
0x25: {  	v59 =	vsub.f32 v2, v4;
	v17 =	vmul.f32 v17, v5;
	v18 =	vmul.f32 v18, v5  }
0x26: {  	v19 =	vmul.f32 v19, v5;
	v22 =	vmul.f32 v22, v5;
	v8 =	vmax.f32 v8, $0.0e+00  }
0x27: {  	v10 =	vmax.f32 v10, $0.0e+00;
	v11 =	vmax.f32 v11, $0.0e+00;
	v17 =	vmax.f32 v17, $0.0e+00  }
0x28: {  	v18 =	vmax.f32 v18, $0.0e+00;
	v19 =	vmax.f32 v19, $0.0e+00;
	v22 =	vmax.f32 v22, $0.0e+00  }
0x29: {  	v20 =	vmin.f32 v8, $1.599998380e+01;
	v8 =	vsub.f32 v7, v4;
	v27 =	vmin.f32 v10, $1.599998380e+01  }
0x2a: {  	v22 =	vmin.f32 v22, $1.599998380e+01;
	v31 =	vmin.f32 v18, $1.599998380e+01;
	v18 =	vmul.f32 v29, v5  }
0x2b: {  	v30 =	vmin.f32 v17, $1.599998380e+01;
	v21 =	vtrunc.f32 v20;
	v17 =	vtrunc.f32 v22  }
0x2c: {  	v28 =	vmin.f32 v11, $1.599998380e+01;
	v29 =	vtrunc.f32 v27;
	v21 =	vcvt.f32.s32 v21  }
0x2d: {  	v32 =	vmin.f32 v19, $1.599998380e+01;
	v33 =	vtrunc.f32 v28;
	v34 =	vtrunc.f32 v30  }
0x2e: {  	v35 =	vtrunc.f32 v31;
	v36 =	vtrunc.f32 v32;
	v25 =	vadd.s32 v0, v21  }
0x2f: {  	v24 =	vmul.f32 v8, v5;
	v40 =	vcvt.f32.s32 v17;
	v26 =	vadd.s32 v1, v21  }
0x30: {  	v18 =	vmax.f32 v18, $0.0e+00;
	v34 =	vcvt.f32.s32 v34;
	v35 =	vcvt.f32.s32 v35  }
0x31: {  	v11 =	vld [tilespmem:s12+$0xFFFFFE90];
	v36 =	vcvt.f32.s32 v36;
	v37 =	vmin.f32 v18, $1.599998380e+01;
	v24 =	vmax.f32 v24, $0.0e+00  }
0x32: {  	v10 =	vld [tilespmem:s12+$0xFFFFFF10];
	v21 =	vcvt.s32.f32 v21;
	v18 =	vtrunc.f32 v37;
	v43 =	vadd.s32 v0, v40  }
0x33: {  	v44 =	vadd.s32 v1, v40;
	v63 =	vadd.s32 v0, v34;
	v49 =	vadd.s32 v1, v34;
	v19 =	vld.idx.msk [tilespmem:v25+s7+$0x0], $0xffff  }
0x34: {  	v50 =	vadd.s32 v0, v35;
	v51 =	vadd.s32 v1, v35;
	v52 =	vadd.s32 v0, v36;
	v26 =	vld.idx.msk [tilespmem:v26+s7+$0x0], $0xffff  }
0x35: {  	v53 =	vadd.s32 v1, v36;
	v40 =	vcvt.s32.f32 v40;
	v34 =	vcvt.s32.f32 v34  }
0x36: {  	v35 =	vcvt.s32.f32 v35;
	v36 =	vcvt.s32.f32 v36;
	v24 =	vmin.f32 v24, $1.599998380e+01  }
0x37: {  	v38 =	vsub.f32 v11, v4;
	v17 =	vsub.f32 v20, v21;
	v20 =	vcvt.f32.s32 v18  }
0x38: {  	v60 =	vsub.f32 v10, v4;
	v39 =	vtrunc.f32 v24;
	v21 =	vcvt.f32.s32 v29  }
0x39: {  	v6 =	vadd.f32 v19, v6;
	v17 =	vmul.f32 v17, v26;
	v26 =	vadd.s32 v61, v20  }
0x3a: {  	v8 =	vld [tilespmem:s12+$0xFFFFFE10];
	v22 =	vsub.f32 v22, v40;
	v30 =	vsub.f32 v30, v34;
	v41 =	vadd.s32 v62, v20  }
0x3b: {  	v29 =	vcvt.f32.s32 v33;
	v18 =	vld [tilespmem:s12+$0x10];
	v31 =	vsub.f32 v31, v35;
	v42 =	vadd.f32 v17, v6  }
0x3c: {  	v32 =	vsub.f32 v32, v36;
	v39 =	vcvt.f32.s32 v39;
	v33 =	vmul.f32 v60, v5;
	v19 =	vld [tilespmem:s12+$0xFFFFFF90]  }
0x3d: {  	v45 =	vadd.s32 v0, v21;
	v46 =	vadd.s32 v1, v21;
	v47 =	vadd.s32 v0, v29;
	v17 =	vld [tilespmem:s12+$0x90];
	[tilespmem:s12+$0x180] =	vst v42  }
0x3e: {  	v48 =	vadd.s32 v1, v29;
	v21 =	vcvt.s32.f32 v21;
	v29 =	vcvt.s32.f32 v29;
	v26 =	vld.idx.msk [tilespmem:v26+s7+$0x0], $0xffff  }
0x3f: {  	v25 =	vsub.f32 v8, v4;
	v55 =	vadd.s32 v0, v39;
	v20 =	vcvt.s32.f32 v20;
	v41 =	vld.idx.msk [tilespmem:v41+s7+$0x0], $0xffff;
	[tilespmem:$0x1FF90] =	vst v2  }
0x40: {  	v56 =	vadd.s32 v1, v39;
	v39 =	vcvt.s32.f32 v39;
	v33 =	vmax.f32 v33, $0.0e+00;
	v43 =	vld.idx.msk [tilespmem:v43+s7+$0x0], $0xffff  }
0x41: {  	v21 =	vsub.f32 v27, v21;
	v27 =	vmul.f32 v38, v5;
	v20 =	vsub.f32 v37, v20;
	v37 =	vld.idx.msk [tilespmem:v44+s7+$0x0], $0xffff  }
0x42: {  	v28 =	vsub.f32 v28, v29;
	v33 =	vmin.f32 v33, $1.599998380e+01;
	v57 =	vsub.f32 v18, v4;
	v40 =	vld.idx.msk [tilespmem:v45+s7+$0x0], $0xffff  }
0x43: {  	v25 =	vmul.f32 v25, v5;
	v24 =	vsub.f32 v24, v39;
	v27 =	vmax.f32 v27, $0.0e+00;
	v38 =	vld.idx.msk [tilespmem:v47+s7+$0x0], $0xffff  }
0x44: {  	v29 =	vmul.f32 v57, v5;
	v57 =	vmul.f32 v59, v5;
	v54 =	vsub.f32 v19, v4;
	v42 =	vld.idx.msk [tilespmem:v63+s7+$0x0], $0xffff  }
0x45: {  	v25 =	vmax.f32 v25, $0.0e+00;
	v27 =	vmin.f32 v27, $1.599998380e+01;
	v59 =	vld.idx.msk [tilespmem:v50+s7+$0x0], $0xffff;
	v58 =	vsub.f32 v17, v4  }
0x46: {  	v29 =	vmax.f32 v29, $0.0e+00;
	v34 =	vmax.f32 v57, $0.0e+00;
	v63 =	vld.idx.msk [tilespmem:v51+s7+$0x0], $0xffff;
	v2 =	vmul.f32 v54, v5  }
0x47: {  	v34 =	vmin.f32 v34, $1.599998380e+01;
	v50 =	vld.idx.msk [tilespmem:v56+s7+$0x0], $0xffff;
	v51 =	vtrunc.f32 v27;
	v54 =	vmul.f32 v58, v5  }
0x48: {  	v58 =	vld.idx.msk [tilespmem:v49+s7+$0x0], $0xffff;
	v60 =	vmax.f32 v2, $0.0e+00;
	v49 =	vmin.f32 v25, $1.599998380e+01;
	v23 =	vadd.f32 v26, v23  }
0x49: {  	v20 =	vmul.f32 v20, v41;
	v25 =	vtrunc.f32 v49;
	v36 =	vmin.f32 v60, $1.599998380e+01  }
0x4a: {  	v26 =	vld.idx.msk [tilespmem:v46+s7+$0x0], $0xffff;
	v2 =	vmax.f32 v54, $0.0e+00;
	v16 =	vadd.f32 v43, v16;
	v15 =	vadd.f32 v40, v15  }
0x4b: {  	v22 =	vmul.f32 v22, v37;
	v14 =	vadd.f32 v38, v14;
	v13 =	vadd.f32 v42, v13  }
0x4c: {  	v31 =	vmul.f32 v31, v63;
	v25 =	vcvt.f32.s32 v25;
	v20 =	vadd.f32 v20, v23;
	v23 =	vld.idx.msk [tilespmem:v48+s7+$0x0], $0xffff  }
0x4d: {  	v38 =	vcvt.f32.s32 v51;
	v35 =	vmul.f32 v24, v50;
	v48 =	vld.idx.msk [tilespmem:v52+s7+$0x0], $0xffff;
	v52 =	vmin.f32 v29, $1.599998380e+01  }
0x4e: {  	v29 =	vadd.s32 v61, v25;
	v16 =	vadd.f32 v22, v16;
	v22 =	vtrunc.f32 v33  }
0x4f: {  	v12 =	vadd.f32 v59, v12;
	v22 =	vcvt.f32.s32 v22;
	v21 =	vmul.f32 v21, v26;
	v26 =	vld.idx.msk [tilespmem:v53+s7+$0x0], $0xffff  }
0x50: {  	v54 =	vadd.s32 v62, v25;
	v56 =	vadd.s32 v62, v38;
	v24 =	vtrunc.f32 v52  }
0x51: {  	v53 =	vmin.f32 v2, $1.599998380e+01;
	[tilespmem:s12+$0xFFFFFE00] =	vst v16;
	v16 =	vtrunc.f32 v36;
	v57 =	vadd.s32 v61, v22  }
0x52: {  	v23 =	vmul.f32 v28, v23;
	v28 =	vmul.f32 v30, v58;
	v30 =	vld.idx.msk [tilespmem:v55+s7+$0x0], $0xffff;
	v15 =	vadd.f32 v21, v15  }
0x53: {  	v9 =	vadd.f32 v48, v9;
	v55 =	vadd.s32 v61, v38;
	v58 =	vld.idx.msk [tilespmem:v29+s7+$0x0], $0xffff;
	v29 =	vtrunc.f32 v53  }
0x54: {  	s13 =	simm.s32 $0x600;
	v14 =	vadd.f32 v23, v14;
	[tilespmem:s12+$0xFFFFFE80] =	vst v15;
	v15 =	vadd.s32 v62, v22;
	v26 =	vmul.f32 v32, v26  }
0x55: {  	v37 =	vld [tilespmem:s13+$0xFFFFFE80];
	v21 =	vadd.f32 v28, v13;
	v13 =	vtrunc.f32 v34;
	v23 =	vadd.f32 v31, v12  }
0x56: {  	v31 =	vcvt.f32.s32 v24;
	v12 =	vld [tilespmem:s13+$0x180];
	v24 =	vadd.f32 v26, v9;
	v9 =	vcvt.s32.f32 v25  }
0x57: {  	v40 =	vld.idx.msk [tilespmem:v54+s7+$0x0], $0xffff;
	v7 =	vadd.f32 v30, v7;
	v30 =	vcvt.f32.s32 v16;
	v16 =	vcvt.f32.s32 v29  }
0x58: {  	[tilespmem:s12+$0xFFFFFF00] =	vst v14;
	v14 =	vcvt.s32.f32 v22;
	v28 =	vld.idx.msk [tilespmem:v55+s7+$0x0], $0xffff;
	v26 =	vsub.f32 v49, v9;
	v9 =	vcvt.s32.f32 v31  }
0x59: {  	v29 =	vcvt.f32.s32 v13;
	v13 =	vld.idx.msk [tilespmem:v56+s7+$0x0], $0xffff;
	v25 =	vadd.f32 v35, v7;
	v60 =	vcvt.s32.f32 v16  }
0x5a: {  	v59 =	vld.idx.msk [tilespmem:v57+s7+$0x0], $0xffff;
	v7 =	vcvt.s32.f32 v38;
	v22 =	vcvt.s32.f32 v30;
	v46 =	vsub.f32 v52, v9  }
0x5b: {  	v15 =	vld.idx.msk [tilespmem:v15+s7+$0x0], $0xffff;
	v63 =	vsub.f32 v12, v4;
	v45 =	vcvt.s32.f32 v29;
	v47 =	vsub.f32 v53, v60  }
0x5c: {  	v22 =	vsub.f32 v36, v22;
	v36 =	vld [tilespmem:s13+$0xFFFFFF00];
	[tilespmem:$0x1FFA0] =	vst v46  }
0x5d: {  	v27 =	vsub.f32 v27, v7;
	v49 =	vmul.f32 v63, v5;
	v50 =	vsub.f32 v34, v45;
	[tilespmem:$0x1FFB0] =	vst v47  }
0x5e: {  	v51 =	vsub.f32 v37, v4;
	v14 =	vsub.f32 v33, v14;
	v35 =	vld [tilespmem:s13+$0xFFFFFF80]  }
0x5f: {  	v48 =	vadd.f32 v58, v8;
	v13 =	vmul.f32 v27, v13;
	v27 =	vmax.f32 v49, $0.0e+00;
	v32 =	vld [tilespmem:s13+$0x0];
	[tilespmem:$0x1FFC0] =	vst v50  }
0x60: {  	v11 =	vadd.f32 v28, v11;
	v14 =	vmul.f32 v14, v15;
	v15 =	vmin.f32 v27, $1.599998380e+01;
	v33 =	vld [tilespmem:s13+$0x80]  }
0x61: {  	v26 =	vmul.f32 v26, v40;
	v10 =	vadd.f32 v59, v10;
	v38 =	vld [tilespmem:s13+$0xFFFFFE00];
	v27 =	vtrunc.f32 v15  }
0x62: {  	v41 =	vld [tilespmem:s13+$0x190];
	v28 =	vadd.f32 v13, v11;
	v52 =	vsub.f32 v36, v4;
	v13 =	vcvt.f32.s32 v27  }
0x63: {  	v26 =	vadd.f32 v26, v48;
	v34 =	vld [tilespmem:s13+$0x100];
	v27 =	vadd.f32 v14, v10;
	v10 =	vmul.f32 v51, v5  }
0x64: {  	v14 =	vmul.f32 v52, v5;
	v54 =	vadd.s32 v0, v13;
	v57 =	vadd.s32 v1, v13  }
0x65: {  	v10 =	vmax.f32 v10, $0.0e+00;
	v13 =	vcvt.s32.f32 v13;
	v11 =	vsub.f32 v35, v4  }
0x66: {  	v53 =	vsub.f32 v32, v4;
	v47 =	vmin.f32 v10, $1.599998380e+01;
	v55 =	vsub.f32 v33, v4  }
0x67: {  	v58 =	vsub.f32 v38, v4;
	v59 =	vsub.f32 v41, v4;
	v11 =	vmul.f32 v11, v5  }
0x68: {  	v56 =	vsub.f32 v34, v4;
	v39 =	vmul.f32 v53, v5;
	v42 =	vmul.f32 v55, v5  }
0x69: {  	v14 =	vmax.f32 v14, $0.0e+00;
	v45 =	vmul.f32 v58, v5;
	v46 =	vmul.f32 v59, v5  }
0x6a: {  	v43 =	vmul.f32 v56, v5;
	v11 =	vmax.f32 v11, $0.0e+00;
	v39 =	vmax.f32 v39, $0.0e+00  }
0x6b: {  	v40 =	vld.idx.msk [tilespmem:v54+s7+$0x0], $0xffff;
	v42 =	vmax.f32 v42, $0.0e+00;
	v45 =	vmax.f32 v45, $0.0e+00;
	v60 =	vmax.f32 v46, $0.0e+00  }
0x6c: {  	v10 =	vld.idx.msk [tilespmem:v57+s7+$0x0], $0xffff;
	v43 =	vmax.f32 v43, $0.0e+00;
	v46 =	vmin.f32 v14, $1.599998380e+01;
	v48 =	vmin.f32 v11, $1.599998380e+01  }
0x6d: {  	v11 =	vsub.f32 v15, v13;
	v39 =	vmin.f32 v39, $1.599998380e+01;
	v44 =	vmin.f32 v60, $1.599998380e+01  }
0x6e: {  	v45 =	vmin.f32 v45, $1.599998380e+01;
	v63 =	vtrunc.f32 v46;
	v14 =	vtrunc.f32 v44  }
0x6f: {  	v42 =	vmin.f32 v42, $1.599998380e+01;
	v13 =	vtrunc.f32 v45;
	v49 =	vcvt.f32.s32 v14  }
0x70: {  	v7 =	vld [tilespmem:s13+$0xFFFFFE10];
	v43 =	vmin.f32 v43, $1.599998380e+01;
	v53 =	vtrunc.f32 v48;
	v50 =	vcvt.f32.s32 v13  }
0x71: {  	v8 =	vld [tilespmem:s13+$0xFFFFFE90];
	v12 =	vadd.f32 v40, v12;
	v10 =	vmul.f32 v11, v10;
	v40 =	vadd.s32 v61, v49  }
0x72: {  	v2 =	vld [tilespmem:s13+$0xFFFFFF90];
	v57 =	vtrunc.f32 v42;
	v52 =	vcvt.f32.s32 v63;
	v51 =	vadd.s32 v62, v49  }
0x73: {  	v3 =	vld [tilespmem:s13+$0x10];
	v11 =	vtrunc.f32 v47;
	v55 =	vadd.s32 v0, v50;
	v12 =	vadd.f32 v10, v12  }
0x74: {  	v6 =	vld [tilespmem:s13+$0x90];
	v59 =	vtrunc.f32 v43;
	v54 =	vcvt.f32.s32 v11;
	v58 =	vadd.s32 v1, v50  }
0x75: {  	v53 =	vcvt.f32.s32 v53;
	v13 =	vld [tilespmem:s13+$0xFFFFFF10];
	v57 =	vcvt.f32.s32 v57;
	v62 =	vadd.s32 v0, v52;
	[tilespmem:s13+$0x180] =	vst v12  }
0x76: {  	v59 =	vcvt.f32.s32 v59;
	v49 =	vcvt.s32.f32 v49;
	v60 =	vadd.s32 v0, v54;
	v40 =	vld.idx.msk [tilespmem:v40+s7+$0x0], $0xffff  }
0x77: {  	v63 =	vadd.s32 v1, v52;
	v50 =	vcvt.s32.f32 v50;
	v61 =	vadd.s32 v1, v54;
	v51 =	vld.idx.msk [tilespmem:v51+s7+$0x0], $0xffff  }
0x78: {  	v44 =	vsub.f32 v44, v49;
	v49 =	vadd.s32 v0, v53;
	v54 =	vcvt.s32.f32 v54;
	v55 =	vld.idx.msk [tilespmem:v55+s7+$0x0], $0xffff  }
0x79: {  	v52 =	vcvt.s32.f32 v52;
	v45 =	vsub.f32 v45, v50;
	v50 =	vadd.s32 v1, v53;
	v58 =	vld.idx.msk [tilespmem:v58+s7+$0x0], $0xffff  }
0x7a: {  	v53 =	vcvt.s32.f32 v53;
	v47 =	vsub.f32 v47, v54;
	v54 =	vadd.s32 v0, v57;
	v62 =	vld.idx.msk [tilespmem:v62+s7+$0x0], $0xffff  }
0x7b: {  	v56 =	vtrunc.f32 v39;
	v46 =	vsub.f32 v46, v52;
	v60 =	vld.idx.msk [tilespmem:v60+s7+$0x0], $0xffff  }
0x7c: {  	v52 =	vcvt.s32.f32 v57;
	v48 =	vsub.f32 v48, v53;
	v53 =	vcvt.s32.f32 v59;
	v61 =	vld.idx.msk [tilespmem:v61+s7+$0x0], $0xffff  }
0x7d: {  	v56 =	vcvt.f32.s32 v56;
	v57 =	vadd.s32 v1, v57;
	v49 =	vld.idx.msk [tilespmem:v49+s7+$0x0], $0xffff  }
0x7e: {  	v42 =	vsub.f32 v42, v52;
	v52 =	vadd.s32 v1, v59;
	v43 =	vsub.f32 v43, v53;
	v50 =	vld.idx.msk [tilespmem:v50+s7+$0x0], $0xffff  }
0x7f: {  	v53 =	vld.idx.msk [tilespmem:v54+s7+$0x0], $0xffff;
	v40 =	vadd.f32 v40, v41;
	v41 =	vadd.s32 v0, v56;
	v44 =	vmul.f32 v44, v51  }
0x80: {  	v51 =	vadd.s32 v1, v56;
	v56 =	vcvt.s32.f32 v56;
	v36 =	vadd.f32 v62, v36;
	v62 =	vld [tilespmem:$0x1FFF0]  }
0x81: {  	v40 =	vadd.f32 v44, v40;
	v44 =	vadd.s32 v0, v59;
	v47 =	vmul.f32 v47, v61;
	v61 =	vld [tilespmem:$0x1FFE0]  }
0x82: {  	v63 =	vld.idx.msk [tilespmem:v63+s7+$0x0], $0xffff;
	v38 =	vadd.f32 v55, v38;
	v45 =	vmul.f32 v45, v58;
	v58 =	vsub.f32 v3, v4  }
0x83: {  	v52 =	vld.idx.msk [tilespmem:v52+s7+$0x0], $0xffff;
	v39 =	vsub.f32 v39, v56;
	v37 =	vadd.f32 v60, v37  }
0x84: {  	v35 =	vadd.f32 v49, v35;
	v48 =	vmul.f32 v48, v50;
	v38 =	vadd.f32 v45, v38;
	v41 =	vld.idx.msk [tilespmem:v41+s7+$0x0], $0xffff  }
0x85: {  	v59 =	vsub.f32 v6, v4;
	v33 =	vadd.f32 v53, v33;
	v51 =	vld.idx.msk [tilespmem:v51+s7+$0x0], $0xffff;
	v55 =	vadd.s32 v62, v30  }
0x86: {  	v56 =	vadd.s32 v62, v31;
	v53 =	vadd.s32 v62, v29;
	v54 =	vadd.s32 v61, v30;
	v30 =	vld.idx.msk [tilespmem:v44+s7+$0x0], $0xffff  }
0x87: {  	v44 =	vmul.f32 v46, v63;
	v46 =	vadd.s32 v61, v31;
	v31 =	vld.idx.msk [tilespmem:v57+s7+$0x0], $0xffff;
	v49 =	vadd.s32 v61, v16  }
0x88: {  	v57 =	vadd.s32 v62, v16;
	v50 =	vadd.s32 v61, v29;
	v16 =	vld [tilespmem:s13+$0x110];
	v29 =	vsub.f32 v13, v4;
	[tilespmem:$0x1FFD0] =	vst v6  }
0x89: {  	v43 =	vmul.f32 v43, v52;
	v37 =	vadd.f32 v47, v37;
	v45 =	vmul.f32 v59, v5;
	[tilespmem:s12+$0x0] =	vst v23  }
0x8a: {  	[tilespmem:s12+$0x80] =	vst v24;
	v24 =	vadd.f32 v48, v35;
	v29 =	vmul.f32 v29, v5;
	v23 =	vadd.f32 v44, v36  }
0x8b: {  	v45 =	vmax.f32 v45, $0.0e+00;
	v32 =	vadd.f32 v41, v32;
	v41 =	vsub.f32 v7, v4  }
0x8c: {  	v39 =	vmul.f32 v39, v51;
	v51 =	vsub.f32 v8, v4;
	v29 =	vmax.f32 v29, $0.0e+00  }
0x8d: {  	v34 =	vadd.f32 v30, v34;
	v31 =	vmul.f32 v42, v31;
	v30 =	vsub.f32 v2, v4  }
0x8e: {  	v60 =	vmovc v2;
	v41 =	vmul.f32 v41, v5;
	v51 =	vmul.f32 v51, v5;
	v2 =	vsub.f32 v16, v4  }
0x8f: {  	[tilespmem:s12+$0xFFFFFF80] =	vst v21;
	v42 =	vmul.f32 v58, v5;
	v52 =	vmin.f32 v29, $1.599998380e+01;
	v29 =	vmin.f32 v45, $1.599998380e+01  }
0x90: {  	[tilespmem:s12+$0x100] =	vst v25;
	v21 =	vld.idx.msk [tilespmem:v54+s7+$0x0], $0xffff;
	v32 =	vadd.f32 v39, v32;
	v25 =	vtrunc.f32 v52;
	v54 =	vtrunc.f32 v29  }
0x91: {  	v30 =	vmul.f32 v30, v5;
	v41 =	vmax.f32 v41, $0.0e+00;
	v47 =	vmul.f32 v2, v5  }
0x92: {  	[tilespmem:s12+$0xFFFFFE90] =	vst v28;
	v28 =	vld.idx.msk [tilespmem:v46+s7+$0x0], $0xffff;
	v51 =	vmax.f32 v51, $0.0e+00;
	v42 =	vmax.f32 v42, $0.0e+00;
	v33 =	vadd.f32 v31, v33  }
0x93: {  	[tilespmem:s12+$0xFFFFFF10] =	vst v27;
	v27 =	vld.idx.msk [tilespmem:v49+s7+$0x0], $0xffff;
	v34 =	vadd.f32 v43, v34;
	v25 =	vcvt.f32.s32 v25;
	v49 =	vcvt.f32.s32 v54  }
0x94: {  	v41 =	vmin.f32 v41, $1.599998380e+01;
	v51 =	vmin.f32 v51, $1.599998380e+01;
	v59 =	vmin.f32 v42, $1.599998380e+01  }
0x95: {  	[tilespmem:s12+$0x190] =	vst v20;
	v30 =	vmax.f32 v30, $0.0e+00;
	v20 =	vmax.f32 v47, $0.0e+00;
	v45 =	vtrunc.f32 v41  }
0x96: {  	[tilespmem:s12+$0xFFFFFE10] =	vst v26;
	v26 =	vtrunc.f32 v59;
	v2 =	vadd.s32 v61, v25;
	v58 =	vmin.f32 v30, $1.599998380e+01  }
0x97: {  	[tilespmem:s13+$0x190] =	vst v40;
	v30 =	vmin.f32 v20, $1.599998380e+01;
	v20 =	vtrunc.f32 v51;
	v36 =	vcvt.f32.s32 v45  }
0x98: {  	[tilespmem:s13+$0xFFFFFE00] =	vst v38;
	v48 =	vld.idx.msk [tilespmem:v55+s7+$0x0], $0xffff;
	v31 =	vadd.f32 v21, v19;
	v45 =	vcvt.f32.s32 v26;
	v28 =	vadd.f32 v28, v18  }
0x99: {  	[tilespmem:s13+$0xFFFFFF80] =	vst v24;
	v24 =	vadd.f32 v27, v17;
	v43 =	vcvt.f32.s32 v20;
	v20 =	vld.idx.msk [tilespmem:v57+s7+$0x0], $0xffff;
	v57 =	vadd.s32 v62, v25  }
0x9a: {  	[tilespmem:s13+$0xFFFFFF00] =	vst v23;
	v47 =	vtrunc.f32 v58;
	v40 =	vadd.s32 v61, v36;
	v23 =	vcvt.s32.f32 v36  }
0x9b: {  	[tilespmem:s13+$0xFFFFFE80] =	vst v37;
	v19 =	vld.idx.msk [tilespmem:v56+s7+$0x0], $0xffff;
	v55 =	vtrunc.f32 v30;
	v44 =	vcvt.f32.s32 v47;
	v38 =	vadd.s32 v62, v36  }
0x9c: {  	[tilespmem:s13+$0x0] =	vst v32;
	v21 =	vld.idx.msk [tilespmem:v50+s7+$0x0], $0xffff;
	v39 =	vadd.s32 v61, v43;
	v47 =	vsub.f32 v41, v23;
	v23 =	vcvt.s32.f32 v25  }
0x9d: {  	[tilespmem:s13+$0x80] =	vst v33;
	v18 =	vld.idx.msk [tilespmem:v53+s7+$0x0], $0xffff;
	v54 =	vcvt.f32.s32 v55;
	v27 =	vcvt.s32.f32 v45;
	v46 =	vadd.s32 v62, v43  }
0x9e: {  	v42 =	vadd.s32 v61, v45;
	v32 =	vsub.f32 v52, v23;
	v23 =	vmul.f32 v22, v48;
	v22 =	vld.idx.msk [tilespmem:v57+s7+$0x0], $0xffff  }
0x9f: {  	[tilespmem:s13+$0x100] =	vst v34;
	v17 =	vcvt.s32.f32 v43;
	v35 =	vadd.s32 v61, v44;
	v25 =	vcvt.s32.f32 v44;
	v26 =	vld.idx.msk [tilespmem:v40+s7+$0x0], $0xffff  }
0xa0: {  	v41 =	vadd.s32 v62, v44;
	v27 =	vsub.f32 v59, v27;
	v36 =	vadd.s32 v61, v54;
	v37 =	vld.idx.msk [tilespmem:v38+s7+$0x0], $0xffff  }
0xa1: {  	v34 =	vadd.s32 v62, v54;
	v33 =	vsub.f32 v51, v17;
	v43 =	vsub.f32 v58, v25;
	v44 =	vld.idx.msk [tilespmem:v39+s7+$0x0], $0xffff  }
0xa2: {  	v63 =	vmovc v3;
	v25 =	vcvt.s32.f32 v49;
	v48 =	vcvt.s32.f32 v54;
	v40 =	vadd.s32 v62, v45;
	v45 =	vld.idx.msk [tilespmem:v46+s7+$0x0], $0xffff  }
0xa3: {  	s14 =	simm.s32 $0x8;
	s15 =	simm.s32 $0xA00;
	v54 =	vmovc v1;
	v38 =	vadd.s32 v62, v49;
	v17 =	vmov v0;
	v39 =	vadd.s32 v61, v49;
	v46 =	vld.idx.msk [tilespmem:v2+s7+$0x0], $0xffff  }
.LBB2_2:
0xa4: {  	v0 =	vld [tilespmem:$0x1FFA0]  }
0xa5: {  	v49 =	vld [tilespmem:$0x1FFB0]  }
0xa6: {  	v51 =	vld [tilespmem:$0x1FF90]  }
0xa7: {  	v52 =	vld [tilespmem:$0x1FFC0]  }
0xa8: {  	[tilespmem:$0x1FF70] =	vst v43;
	v43 =	vld [tilespmem:s15+$0x180]  }
0xa9: {  	v29 =	vsub.f32 v29, v25;
	v30 =	vsub.f32 v30, v48;
	v25 =	vld [tilespmem:s15+$0xFFFFFE80]  }
0xaa: {  	v50 =	vmov v27;
	v27 =	vld [tilespmem:s15+$0xFFFFFF80];
	v23 =	vadd.f32 v23, v31;
	v15 =	vadd.f32 v26, v7  }
0xab: {  	v31 =	vld [tilespmem:s15+$0x0];
	v37 =	vmul.f32 v47, v37;
	v14 =	vadd.f32 v44, v8;
	v33 =	vmul.f32 v33, v45  }
0xac: {  	v1 =	vmovc v30;
	v30 =	vld [tilespmem:s15+$0x100];
	v13 =	vadd.f32 v46, v13;
	v19 =	vmul.f32 v0, v19;
	v21 =	vadd.f32 v21, v51  }
0xad: {  	v53 =	vmovc v16;
	v26 =	vld [tilespmem:s15+$0xFFFFFF00];
	v20 =	vmul.f32 v49, v20;
	v15 =	vadd.f32 v37, v15;
	v16 =	vsub.f32 v43, v4  }
0xae: {  	v18 =	vmul.f32 v52, v18;
	v14 =	vadd.f32 v33, v14;
	v19 =	vadd.f32 v19, v28  }
0xaf: {  	v2 =	vmov v29;
	v29 =	vld [tilespmem:s15+$0x80];
	v20 =	vadd.f32 v20, v24;
	v24 =	vsub.f32 v27, v4  }
0xb0: {  	[tilespmem:s12+$0xFFFFFF90] =	vst v23;
	v18 =	vadd.f32 v18, v21;
	v21 =	vsub.f32 v31, v4  }
0xb1: {  	v28 =	vld [tilespmem:s15+$0xFFFFFF90];
	[tilespmem:s13+$0xFFFFFE10] =	vst v15;
	v15 =	vmul.f32 v32, v22;
	v22 =	vsub.f32 v25, v4;
	v16 =	vmul.f32 v16, v5  }
0xb2: {  	v23 =	vsub.f32 v26, v4;
	[tilespmem:s12+$0x90] =	vst v20;
	v20 =	vsub.f32 v30, v4  }
0xb3: {  	v13 =	vadd.f32 v15, v13;
	v22 =	vmul.f32 v22, v5;
	v16 =	vmax.f32 v16, $0.0e+00  }
0xb4: {  	v37 =	vld [tilespmem:s15+$0xFFFFFE00];
	[tilespmem:s12+$0x10] =	vst v19;
	v19 =	vmul.f32 v23, v5;
	v23 =	vmul.f32 v24, v5;
	v24 =	vsub.f32 v29, v4  }
0xb5: {  	v3 =	vld.idx.msk [tilespmem:v41+s7+$0x0], $0xffff;
	[tilespmem:s13+$0xFFFFFE90] =	vst v14;
	v44 =	vmin.f32 v16, $1.599998380e+01;
	v16 =	vmul.f32 v21, v5;
	v20 =	vmul.f32 v20, v5  }
0xb6: {  	[tilespmem:$0x1FFC0] =	vst v1;
	v1 =	vld [tilespmem:s15+$0xFFFFFE90];
	v21 =	vtrunc.f32 v44;
	v56 =	vmax.f32 v22, $0.0e+00;
	v12 =	vsub.f32 v28, v4  }
0xb7: {  	[tilespmem:$0x1FF90] =	vst v53;
	v55 =	vmul.f32 v24, v5;
	v21 =	vcvt.f32.s32 v21;
	v19 =	vmax.f32 v19, $0.0e+00  }
0xb8: {  	[tilespmem:$0x1FFA0] =	vst v50;
	v45 =	vld [tilespmem:s15+$0x190];
	v57 =	vmax.f32 v23, $0.0e+00;
	v59 =	vmax.f32 v16, $0.0e+00;
	v50 =	vmin.f32 v56, $1.599998380e+01  }
0xb9: {  	v0 =	vld [tilespmem:s15+$0xFFFFFE10];
	[tilespmem:s12+$0x110] =	vst v18;
	v20 =	vmax.f32 v20, $0.0e+00;
	v18 =	vsub.f32 v37, v4;
	v52 =	vmin.f32 v19, $1.599998380e+01  }
0xba: {  	[tilespmem:$0x1FF80] =	vst v3;
	v3 =	vld.idx.msk [tilespmem:v42+s7+$0x0], $0xffff;
	v41 =	vmin.f32 v57, $1.599998380e+01;
	v46 =	vmin.f32 v59, $1.599998380e+01;
	v53 =	vmin.f32 v20, $1.599998380e+01  }
0xbb: {  	v33 =	vld.idx.msk [tilespmem:v39+s7+$0x0], $0xffff;
	v39 =	vsub.f32 v1, v4;
	v12 =	vmul.f32 v12, v5;
	v58 =	vadd.s32 v17, v21  }
0xbc: {  	[tilespmem:s13+$0xFFFFFF10] =	vst v13;
	v22 =	vld [tilespmem:s15+$0x90];
	v32 =	vmax.f32 v55, $0.0e+00;
	v55 =	vtrunc.f32 v50;
	v56 =	vtrunc.f32 v52  }
0xbd: {  	[tilespmem:$0x1FFB0] =	vst v2;
	v2 =	vld [tilespmem:s15+$0xFFFFFF10];
	v49 =	vadd.s32 v54, v21;
	v57 =	vtrunc.f32 v41;
	v21 =	vcvt.s32.f32 v21  }
0xbe: {  	v15 =	vmovc v60;
	v16 =	vld [tilespmem:s15+$0x110];
	v14 =	vsub.f32 v0, v4;
	v60 =	vtrunc.f32 v53;
	v18 =	vmul.f32 v18, v5  }
0xbf: {  	v19 =	vld.idx.msk [tilespmem:v40+s7+$0x0], $0xffff;
	v48 =	vmin.f32 v32, $1.599998380e+01;
	v39 =	vmul.f32 v39, v5;
	v12 =	vmax.f32 v12, $0.0e+00  }
0xc0: {  	[tilespmem:$0x1FF50] =	vst v1;
	v40 =	vtrunc.f32 v48;
	v1 =	vsub.f32 v44, v21;
	v21 =	vld.idx.msk [tilespmem:v36+s7+$0x0], $0xffff;
	v36 =	vcvt.f32.s32 v55  }
0xc1: {  	[tilespmem:$0x1FF40] =	vst v3;
	v55 =	vcvt.f32.s32 v56;
	v3 =	vsub.f32 v22, v4;
	v18 =	vmax.f32 v18, $0.0e+00  }
0xc2: {  	v12 =	vmin.f32 v12, $1.599998380e+01;
	v51 =	vmin.f32 v18, $1.599998380e+01;
	v18 =	vsub.f32 v45, v4  }
0xc3: {  	v23 =	vmovc v63;
	v56 =	vsub.f32 v2, v4;
	v40 =	vcvt.f32.s32 v40;
	v63 =	vadd.s32 v17, v55;
	v47 =	vld.idx.msk [tilespmem:v58+s7+$0x0], $0xffff  }
0xc4: {  	v6 =	vadd.s32 v54, v55;
	v55 =	vcvt.s32.f32 v55;
	v18 =	vmul.f32 v18, v5  }
0xc5: {  	v13 =	vsub.f32 v16, v4;
	v3 =	vmul.f32 v3, v5;
	v42 =	vtrunc.f32 v51;
	v49 =	vld.idx.msk [tilespmem:v49+s7+$0x0], $0xffff  }
0xc6: {  	v58 =	vtrunc.f32 v46;
	v10 =	vadd.s32 v17, v40;
	v18 =	vmax.f32 v18, $0.0e+00  }
0xc7: {  	v11 =	vadd.s32 v54, v40;
	v40 =	vcvt.s32.f32 v40;
	v59 =	vmin.f32 v18, $1.599998380e+01  }
0xc8: {  	v24 =	vld [tilespmem:s15+$0x10];
	[tilespmem:$0x1FF60] =	vst v0;
	v18 =	vtrunc.f32 v59;
	v0 =	vadd.f32 v47, v43;
	v47 =	vcvt.f32.s32 v57  }
0xc9: {  	v20 =	vld.idx.msk [tilespmem:v38+s7+$0x0], $0xffff;
	v39 =	vmax.f32 v39, $0.0e+00;
	v13 =	vmul.f32 v13, v5;
	v44 =	vcvt.f32.s32 v18  }
0xca: {  	v38 =	vcvt.f32.s32 v42;
	v6 =	vld.idx.msk [tilespmem:v6+s7+$0x0], $0xffff;
	v42 =	vmul.f32 v1, v49;
	v7 =	vadd.s32 v54, v47  }
0xcb: {  	v32 =	vmovc v2;
	v55 =	vsub.f32 v52, v55;
	v3 =	vmax.f32 v3, $0.0e+00;
	v10 =	vld.idx.msk [tilespmem:v10+s7+$0x0], $0xffff;
	v2 =	vadd.s32 v62, v44  }
0xcc: {  	v18 =	vld.idx.msk [tilespmem:v34+s7+$0x0], $0xffff;
	v34 =	vadd.f32 v42, v0;
	v1 =	vadd.s32 v61, v44;
	v44 =	vcvt.s32.f32 v44  }
0xcd: {  	v40 =	vsub.f32 v48, v40;
	v13 =	vmax.f32 v13, $0.0e+00;
	v11 =	vld.idx.msk [tilespmem:v11+s7+$0x0], $0xffff;
	v61 =	vadd.s32 v17, v36  }
0xce: {  	v49 =	vcvt.f32.s32 v58;
	[tilespmem:s15+$0x180] =	vst v34;
	v34 =	vadd.s32 v17, v47;
	v44 =	vsub.f32 v59, v44;
	v59 =	vld.idx.msk [tilespmem:v63+s7+$0x0], $0xffff  }
0xcf: {  	v58 =	vcvt.f32.s32 v60;
	v60 =	vadd.s32 v54, v38;
	v42 =	vadd.s32 v17, v38;
	v7 =	vld.idx.msk [tilespmem:v7+s7+$0x0], $0xffff  }
0xd0: {  	v8 =	vadd.s32 v17, v49;
	v9 =	vadd.s32 v54, v49;
	v38 =	vcvt.s32.f32 v38;
	v57 =	vld.idx.msk [tilespmem:v2+s7+$0x0], $0xffff  }
0xd1: {  	v0 =	vadd.s32 v17, v58;
	v62 =	vadd.s32 v54, v36;
	v36 =	vcvt.s32.f32 v36;
	v43 =	vld.idx.msk [tilespmem:v1+s7+$0x0], $0xffff  }
0xd2: {  	v49 =	vcvt.s32.f32 v49;
	v47 =	vcvt.s32.f32 v47;
	v38 =	vsub.f32 v51, v38;
	v61 =	vld.idx.msk [tilespmem:v61+s7+$0x0], $0xffff  }
0xd3: {  	v6 =	vmul.f32 v55, v6;
	v36 =	vsub.f32 v50, v36;
	v63 =	vmul.f32 v56, v5;
	v34 =	vld.idx.msk [tilespmem:v34+s7+$0x0], $0xffff  }
0xd4: {  	v56 =	vsub.f32 v46, v49;
	v10 =	vadd.f32 v10, v29;
	v11 =	vmul.f32 v40, v11  }
0xd5: {  	v60 =	vld.idx.msk [tilespmem:v60+s7+$0x0], $0xffff;
	v41 =	vsub.f32 v41, v47;
	v44 =	vmul.f32 v44, v57;
	v57 =	vmul.f32 v14, v5  }
0xd6: {  	v42 =	vld.idx.msk [tilespmem:v42+s7+$0x0], $0xffff;
	v1 =	vadd.s32 v54, v58;
	v2 =	vsub.f32 v24, v4;
	v58 =	vcvt.s32.f32 v58  }
0xd7: {  	v43 =	vadd.f32 v43, v45;
	v25 =	vadd.f32 v61, v25;
	v61 =	vld [tilespmem:$0x1FFE0];
	v45 =	vmax.f32 v57, $0.0e+00  }
0xd8: {  	v8 =	vld.idx.msk [tilespmem:v8+s7+$0x0], $0xffff;
	v7 =	vmul.f32 v41, v7;
	v27 =	vadd.f32 v34, v27;
	v45 =	vmin.f32 v45, $1.599998380e+01  }
0xd9: {  	v29 =	vmin.f32 v3, $1.599998380e+01;
	v0 =	vld.idx.msk [tilespmem:v0+s7+$0x0], $0xffff;
	v2 =	vmul.f32 v2, v5;
	v3 =	vtrunc.f32 v45  }
0xda: {  	v9 =	vld.idx.msk [tilespmem:v9+s7+$0x0], $0xffff;
	v58 =	vsub.f32 v53, v58;
	v7 =	vadd.f32 v7, v27;
	v3 =	vcvt.f32.s32 v3  }
0xdb: {  	v51 =	vld.idx.msk [tilespmem:v62+s7+$0x0], $0xffff;
	v38 =	vmul.f32 v38, v60;
	v26 =	vadd.f32 v59, v26;
	v59 =	vmin.f32 v39, $1.599998380e+01  }
0xdc: {  	v35 =	vld.idx.msk [tilespmem:v35+s7+$0x0], $0xffff;
	v53 =	vtrunc.f32 v12;
	v37 =	vadd.f32 v42, v37;
	[tilespmem:s15+$0xFFFFFF80] =	vst v7;
	v7 =	vadd.s32 v61, v3  }
0xdd: {  	v2 =	vmax.f32 v2, $0.0e+00;
	v8 =	vadd.f32 v8, v31;
	v6 =	vadd.f32 v6, v26  }
0xde: {  	v0 =	vadd.f32 v0, v30;
	v30 =	vmin.f32 v13, $1.599998380e+01;
	v13 =	vadd.f32 v38, v37  }
0xdf: {  	v62 =	vld [tilespmem:$0x1FFF0];
	v9 =	vmul.f32 v56, v9;
	v31 =	vtrunc.f32 v59;
	[tilespmem:s15+$0xFFFFFF00] =	vst v6;
	v6 =	vadd.f32 v11, v10  }
0xe0: {  	v26 =	vtrunc.f32 v29;
	v36 =	vmul.f32 v36, v51;
	v1 =	vld.idx.msk [tilespmem:v1+s7+$0x0], $0xffff;
	v2 =	vmin.f32 v2, $1.599998380e+01;
	[tilespmem:s15+$0xFFFFFE00] =	vst v13  }
0xe1: {  	v55 =	vcvt.f32.s32 v31;
	v57 =	vmax.f32 v63, $0.0e+00;
	[tilespmem:s15+$0x80] =	vst v6;
	v6 =	vcvt.f32.s32 v26;
	v26 =	vld.idx.msk [tilespmem:v7+s7+$0x0], $0xffff  }
0xe2: {  	v31 =	vadd.f32 v35, v15;
	v8 =	vadd.f32 v9, v8;
	v51 =	vmin.f32 v57, $1.599998380e+01;
	v7 =	vld [tilespmem:$0x1FF40]  }
0xe3: {  	v11 =	vcvt.f32.s32 v53;
	v25 =	vadd.f32 v36, v25;
	v52 =	vtrunc.f32 v51  }
0xe4: {  	v13 =	vtrunc.f32 v2;
	v27 =	vadd.s32 v62, v55;
	v10 =	vcvt.f32.s32 v52  }
0xe5: {  	[tilespmem:s15+$0x0] =	vst v8;
	v41 =	vadd.s32 v62, v11;
	v8 =	vcvt.f32.s32 v13;
	v1 =	vmul.f32 v58, v1  }
0xe6: {  	v35 =	vadd.s32 v61, v11;
	v56 =	vadd.s32 v61, v10;
	v57 =	vadd.s32 v62, v10  }
0xe7: {  	v60 =	vmovc v28;
	v28 =	vadd.f32 v7, v23;
	v7 =	vcvt.s32.f32 v10;
	v10 =	vcvt.s32.f32 v11;
	v11 =	vld [tilespmem:$0x1FFD0]  }
0xe8: {  	[tilespmem:s15+$0xFFFFFE80] =	vst v25;
	v25 =	vadd.s32 v61, v55;
	v13 =	vadd.s32 v62, v3;
	v3 =	vcvt.s32.f32 v3  }
0xe9: {  	v9 =	vtrunc.f32 v30;
	v43 =	vadd.f32 v44, v43;
	v58 =	vld [tilespmem:$0x1FF70]  }
0xea: {  	v0 =	vadd.f32 v1, v0;
	v1 =	vcvt.s32.f32 v55;
	v47 =	vsub.f32 v45, v3;
	v45 =	vld.idx.msk [tilespmem:v27+s7+$0x0], $0xffff  }
0xeb: {  	s14 =	sadd.s32 $0x8, s14;
	v42 =	vadd.s32 v61, v8;
	v40 =	vadd.s32 v62, v8;
	v3 =	vcvt.s32.f32 v8;
	v8 =	vld [tilespmem:$0x1FF50]  }
0xec: {  	p0 =	slt.u32 s14, $0x1F8;
	v9 =	vcvt.f32.s32 v9;
	v63 =	vmovc v24;
	v24 =	vadd.f32 v33, v11;
	v33 =	vsub.f32 v59, v1;
	v59 =	vld [tilespmem:$0x1FF80]  }
.Ltmp0:
0xed: {  	v44 =	vld.idx.msk [tilespmem:v25+s7+$0x0], $0xffff;
	(pc) =	sbr.rel @p0 .LBB2_2-.Ltmp0, $4  }
0xee: {  	[tilespmem:s15+$0x190] =	vst v43;
	v34 =	vadd.s32 v62, v9;
	v48 =	vcvt.s32.f32 v9;
	v37 =	vld.idx.msk [tilespmem:v13+s7+$0x0], $0xffff  }
0xef: {  	v39 =	vadd.s32 v61, v6;
	v38 =	vadd.s32 v62, v6;
	v36 =	vadd.s32 v61, v9;
	v46 =	vld.idx.msk [tilespmem:v56+s7+$0x0], $0xffff  }
0xf0: {  	[tilespmem:s15+$0x100] =	vst v0;
	v27 =	vsub.f32 v2, v3;
	v13 =	vmovc v32;
	v32 =	vsub.f32 v51, v7;
	v7 =	vld [tilespmem:$0x1FF60];
	v11 =	vmov v22  }
0xf1: {  	s12 =	smov.u32 s13;
	s13 =	smov.u32 s15;
	s15 =	sadd.s32 $0x400, s15;
	v25 =	vcvt.s32.f32 v6;
	v43 =	vsub.f32 v12, v10;
	v22 =	vld.idx.msk [tilespmem:v57+s7+$0x0], $0xffff;
	[tilespmem:$0x1FFD0] =	vst v11;
	v23 =	vmul.f32 v58, v59  }
0xf2: {  	_ =	sdelay $0x2  }
0xf3: {  	v3 =	vmul.f32 v47, v37;
	v2 =	vadd.f32 v26, v7;
	_ =	sdelay $0x1  }
0xf4: {  	v0 =	vld.idx.msk [tilespmem:v35+s7+$0x0], $0xffff;
	v2 =	vadd.f32 v3, v2  }
0xf5: {  	v10 =	vld [tilespmem:$0x1FFA0]  }
0xf6: {  	v1 =	vld.idx.msk [tilespmem:v41+s7+$0x0], $0xffff;
	[tilespmem:s13+$0xFFFFFE10] =	vst v2  }
0xf7: {  	v14 =	vld [tilespmem:$0x1FFB0]  }
0xf8: {  	v4 =	vld.idx.msk [tilespmem:v42+s7+$0x0], $0xffff  }
0xf9: {  	v55 =	vld.idx.msk [tilespmem:v40+s7+$0x0], $0xffff;
	v8 =	vadd.f32 v44, v8;
	v11 =	vadd.f32 v23, v31;
	v3 =	vmul.f32 v33, v45  }
0xfa: {  	v9 =	vld.idx.msk [tilespmem:v39+s7+$0x0], $0xffff;
	v10 =	vmul.f32 v10, v19  }
0xfb: {  	v12 =	vadd.f32 v46, v13;
	v2 =	vadd.f32 v3, v8;
	v3 =	vmul.f32 v32, v22;
	[tilespmem:s12+$0xFFFFFF90] =	vst v11  }
0xfc: {  	v10 =	vadd.f32 v10, v28;
	v15 =	vld [tilespmem:$0x1FF90];
	v14 =	vmul.f32 v14, v20  }
0xfd: {  	v59 =	vld [tilespmem:$0x1FFC0];
	[tilespmem:s13+$0xFFFFFE90] =	vst v2;
	v2 =	vadd.f32 v3, v12  }
0xfe: {  	v56 =	vld.idx.msk [tilespmem:v38+s7+$0x0], $0xffff;
	[tilespmem:s12+$0x10] =	vst v10;
	v3 =	vadd.f32 v14, v24  }
0xff: {  	v57 =	vld.idx.msk [tilespmem:v36+s7+$0x0], $0xffff;
	[tilespmem:s13+$0xFFFFFF10] =	vst v2  }
0x100: {  	v58 =	vld.idx.msk [tilespmem:v34+s7+$0x0], $0xffff;
	[tilespmem:s12+$0x90] =	vst v3  }
0x101: {  	v3 =	vld [tilespmem:$0x1FFD0]  }
0x102: {  	v6 =	vsub.f32 v30, v48;
	v15 =	vadd.f32 v21, v15;
	v18 =	vmul.f32 v59, v18  }
0x103: {  	v5 =	vsub.f32 v29, v25;
	v0 =	vadd.f32 v0, v60;
	v1 =	vmul.f32 v43, v1  }
0x104: {  	v2 =	vadd.f32 v4, v63;
	v63 =	vmul.f32 v27, v55;
	v60 =	vadd.f32 v18, v15  }
0x105: {  	v6 =	vmul.f32 v6, v58;
	v0 =	vadd.f32 v1, v0;
	v1 =	vadd.f32 v57, v16  }
0x106: {  	v5 =	vmul.f32 v5, v56;
	v2 =	vadd.f32 v63, v2;
	[tilespmem:s12+$0x110] =	vst v60;
	v3 =	vadd.f32 v9, v3  }
0x107: {  	v1 =	vadd.f32 v6, v1;
	[tilespmem:s13+$0xFFFFFF90] =	vst v0  }
0x108: {  	s11 =	sadd.s32 $0x1, s11;
	[tilespmem:s13+$0x10] =	vst v2;
	v0 =	vadd.f32 v5, v3  }
0x109: {  	p0 =	sne.s32 s11, s6;
	[tilespmem:s13+$0x110] =	vst v1  }
.Ltmp1:
0x10a: {  	[tilespmem:s13+$0x90] =	vst v0;
	(pc) =	sbr.rel @p0 .LBB2_1-.Ltmp1, $4  }
0x10b: {  	[hbm4b:s5+s2] =	stream.linear.scatter [tilespmem:s2], [sflag:$0x3], $0x10000, $0x38;
	[tilespmem:$0x10480] =	vst v63  }
0x10c: {  	_ =	swait.ge [sflag:s10], $0x10000  }
0x10d: {  	[sflag:s10] =	ssyncset.done $0x0  }
0x10e: {  	v1 =	vmov v54;
	v0 =	vmov v17;
	[sflag:s10] =	ssyncadd.s32 $0xFFFF0000  }
0x10f: {  	_ =	sfence.sel $0x180000  }
0x110: {  	[bflag:$0x0] =	sbarrier.arrive $0xFFFF  }
0x111: {  	p0 =	sne.s32 s1, $0x0;
	_ =	strace $0x90000047  }
0x112: {  	s0 =	sadd.s32 @!p0 $0x100000, s0;
	[bflag:$0x2] =	sbarrier.arrive $0xFFFF  }
0x113: {  	[sflag:s0] =	ssyncadd.tile.s32 @!p0 $0x1;
	_ =	shalt  }
.Lfunc_end2:
_tile_overlayer_lowered:
.L_overlay_start_2:
0x114: {  	(tag) =	ssettag $0x2  }
0x115: {  	s0 =	rddreg [dreg:$0x0];
	s2 =	stileid.u32  }
0x116: {  	s1 =	rddreg [dreg:$0x1];
	p0 =	sne.s32 s2, $0x0  }
0x117: {  	s3 =	rddreg [dreg:$0x2];
	[bflag:$0x3] =	sbarrier.arrive $0xFFFF;
	s2 =	simm.s32 @!p0 $0x1C03  }
0x118: {  	[timem:s3], [sflag:s2] =	dma.local @!p0 [hbm:s0], s1  }
0x119: {  	s0 =	simm.s32 @!p0 $0x3  }
0x11a: {  	_ =	swait.ge @!p0 [sflag:s0], s1  }
0x11b: {  	s1 =	ssub.s32 @!p0 $0x0, s1;
	[sflag:s0] =	ssyncset.done @!p0 $0x0  }
0x11c: {  	[sflag:s0] =	ssyncadd.s32 @!p0 s1  }
0x11d: {  	[bflag:$0x3] =	sbarrier.arrive $0xFFFF  }
0x11e: {  	_ =	shalt  }

</sc_bundles>
